<compile_context>
chip_gen: v7x
topology: tpu7x:2x2x1
jax: 0.10.2.dev20260603
libtpu: 0.0.44.dev20260713+nightly
codegen_flags: <defaults>
</compile_context>

<pallas_src>
import functools

import jax
import jax.numpy as jnp
import numpy as np
from jax import lax
from jax.experimental import pallas as pl
from jax.experimental.pallas import tpu as pltpu
from jax.experimental.pallas import tpu_sc as plsc

VOCAB = 1000000
D = 64
BATCH = 4096
SEQ = 200
N = BATCH * SEQ
NC, NS = 2, 16
NW = NC * NS
PER_W = N // NW
CHUNKS = PER_W // SEQ
SPLIT = 128
LANES = 16
VREGS_PER_ROW = D // LANES


def _positional_encoding() -> np.ndarray:
    position = np.arange(0, SEQ, dtype=np.float32)[:, None]
    div_term = np.exp(np.arange(0, D, 2, dtype=np.float32) * (-np.log(10000.0) / D))
    pe = np.zeros((SEQ, D), dtype=np.float32)
    pe[:, 0::2] = np.sin(position * div_term)
    pe[:, 1::2] = np.cos(position * div_term)
    return pe


_PE = _positional_encoding()


def _body(table_hbm, idx_hbm, pe_hbm, out_hbm,
          idx_v, pe_v, gbuf0, gbuf1, obuf0, obuf1,
          gsem0, gsem1, osem0, osem1):
    wid = lax.axis_index("s") * NC + lax.axis_index("c")
    base = pl.multiple_of(wid * PER_W, 8)

    pltpu.sync_copy(idx_hbm.at[pl.ds(base, PER_W)], idx_v)
    pltpu.sync_copy(pe_hbm, pe_v)

    gbufs = (gbuf0, gbuf1)
    obufs = (obuf0, obuf1)
    gsems = (gsem0, gsem1)
    osems = (osem0, osem1)

    def start_gather(g, b):
        lo = pl.multiple_of(g * SEQ, 8)
        pltpu.async_copy(table_hbm.at[idx_v.at[pl.ds(lo, SPLIT)]],
                         gbufs[b].at[pl.ds(0, SPLIT)], gsems[b])
        pltpu.async_copy(table_hbm.at[idx_v.at[pl.ds(lo + SPLIT, SEQ - SPLIT)]],
                         gbufs[b].at[pl.ds(SPLIT, SEQ - SPLIT)], gsems[b])

    def wait_gather(b):
        pltpu.make_async_copy(table_hbm.at[idx_v.at[pl.ds(0, SPLIT)]],
                              gbufs[b].at[pl.ds(0, SPLIT)], gsems[b]).wait()
        pltpu.make_async_copy(table_hbm.at[idx_v.at[pl.ds(0, SEQ - SPLIT)]],
                              gbufs[b].at[pl.ds(SPLIT, SEQ - SPLIT)], gsems[b]).wait()

    def start_out(g, b):
        pltpu.async_copy(obufs[b], out_hbm.at[pl.ds(base + g * SEQ, SEQ)], osems[b])

    def wait_out(b):
        pltpu.make_async_copy(obufs[b], out_hbm.at[pl.ds(0, SEQ)], osems[b]).wait()

    def add_pe(b):
        gb, ob = gbufs[b], obufs[b]

        def row(r, _):
            for j in range(VREGS_PER_ROW):
                sl = pl.ds(j * LANES, LANES)
                ob[r, sl] = gb[r, sl] + pe_v[r, sl]
            return ()

        lax.fori_loop(0, SEQ, row, (), unroll=2)

    start_gather(0, 0)
    start_gather(1, 1)

    for g in (0, 1):
        b = g % 2
        wait_gather(b)
        add_pe(b)
        start_gather(g + 2, b)
        start_out(g, b)

    def step(g, _):
        b = lax.rem(g, 2)

        def slot(b):
            wait_out(b)
            wait_gather(b)
            add_pe(b)
            start_gather(g + 2, b)
            start_out(g, b)

        @pl.when(b == 0)
        def _():
            slot(0)

        @pl.when(b == 1)
        def _():
            slot(1)

        return ()

    lax.fori_loop(2, CHUNKS - 2, step, ())

    for g in (CHUNKS - 2, CHUNKS - 1):
        b = g % 2
        wait_out(b)
        wait_gather(b)
        add_pe(b)
        start_out(g, b)

    wait_out(0)
    wait_out(1)


@jax.jit
def _run(x_flat, glove_table, pe):
    mesh = plsc.VectorSubcoreMesh(core_axis_name="c", subcore_axis_name="s")
    kern = pl.kernel(
        _body,
        out_type=jax.ShapeDtypeStruct((N, D), jnp.float32),
        mesh=mesh,
        compiler_params=pltpu.CompilerParams(use_tc_tiling_on_sc=False),
        scratch_types=[
            pltpu.VMEM((PER_W,), jnp.int32),
            pltpu.VMEM((SEQ, D), jnp.float32),
            pltpu.VMEM((SEQ, D), jnp.float32),
            pltpu.VMEM((SEQ, D), jnp.float32),
            pltpu.VMEM((SEQ, D), jnp.float32),
            pltpu.VMEM((SEQ, D), jnp.float32),
            pltpu.SemaphoreType.DMA,
            pltpu.SemaphoreType.DMA,
            pltpu.SemaphoreType.DMA,
            pltpu.SemaphoreType.DMA,
        ],
    )
    return kern(glove_table, x_flat, pe)


def kernel(x, glove_table):
    pe = jnp.asarray(_PE)
    out = _run(x.reshape(-1), glove_table, pe)
    return out.reshape(BATCH, SEQ, D)

# --- scband reference (transcript-rebuilt; emitter-appended) ---
"""Pipeline reference for scband-embedder-63161789055247 (READ-ONLY COPY).

The authoritative reference and input builder live on the scoring server;
editing this copy changes nothing except your own understanding.
"""

import jax, jax.numpy as jnp
import numpy as np

VOCAB = 1000000
D_EMB = 64
BATCH = 4096
SEQ_LEN = 200
MAX_SEQ_LEN = 200
PAD_IDX = 0


def _positional_encoder(max_seq_len, d_emb):
    position = jnp.arange(0, max_seq_len, dtype=jnp.float32)[:, None]
    div_term = jnp.exp(jnp.arange(0, d_emb, 2, dtype=jnp.float32) * (-np.log(10000.0) / d_emb))
    pe = jnp.zeros((max_seq_len, d_emb), dtype=jnp.float32)
    pe = pe.at[:, 0::2].set(jnp.sin(position * div_term))
    pe = pe.at[:, 1::2].set(jnp.cos(position * div_term))
    return pe  # [max_seq_len, d_emb]


def setup_inputs(seed: int = 0) -> dict:
    key = jax.random.key(seed)
    k_idx, k_tab = jax.random.split(key)
    x = jax.random.randint(k_idx, (BATCH, SEQ_LEN), 0, VOCAB, dtype=jnp.int32)
    glove_table = jax.random.normal(k_tab, (VOCAB, D_EMB), dtype=jnp.float32)
    # padding_idx row is zeroed as nn.Embedding.from_pretrained does with padding_idx
    glove_table = glove_table.at[PAD_IDX].set(0.0)
    return {"x": x, "glove_table": glove_table}


def reference(x, glove_table):
    seq_len = x.shape[1]
    # embedding lookup (gather)
    emb = jnp.take(glove_table, x, axis=0)  # [B, S, d_emb]
    pe = _positional_encoder(MAX_SEQ_LEN, D_EMB)
    # dropout is identity in eval mode
    return emb + pe[:seq_len, :][None, :, :]

if __name__ == "__main__":
    import jax
    _d = setup_inputs()
    print(jax.jit(kernel)(*tuple(_d.values())))

</pallas_src>

<mosaic_0001>
#map = affine_map<(d0, d1) -> (0, 0)>
#map1 = affine_map<(d0, d1) -> (0)>
module attributes {stable_mosaic.version = 14 : i64} {
  func.func @_body(%arg0: i32, %arg1: i32, %arg2: memref<1000000x64xf32, #tpu.memory_space<hbm>>, %arg3: memref<819200xi32, #tpu.memory_space<hbm>>, %arg4: memref<200x64xf32, #tpu.memory_space<hbm>>, %arg5: memref<819200x64xf32, #tpu.memory_space<hbm>>, %arg6: memref<25600xi32, #tpu.memory_space<vmem>>, %arg7: memref<200x64xf32, #tpu.memory_space<vmem>>, %arg8: memref<200x64xf32, #tpu.memory_space<vmem>>, %arg9: memref<200x64xf32, #tpu.memory_space<vmem>>, %arg10: memref<200x64xf32, #tpu.memory_space<vmem>>, %arg11: memref<200x64xf32, #tpu.memory_space<vmem>>, %arg12: memref<!tpu.dma_semaphore, #tpu.memory_space<semaphore_mem>>, %arg13: memref<!tpu.dma_semaphore, #tpu.memory_space<semaphore_mem>>, %arg14: memref<!tpu.dma_semaphore, #tpu.memory_space<semaphore_mem>>, %arg15: memref<!tpu.dma_semaphore, #tpu.memory_space<semaphore_mem>>) attributes {dimension_semantics = [#tpu.dimension_semantics<core_parallel>, #tpu.dimension_semantics<subcore_parallel>], iteration_bounds = array<i64: 2, 16>, scalar_prefetch = 0 : i64, scratch_operands = 10 : i64, tpu.core_type = #tpu.core_type<sc_vector_subcore>, window_params = [{transform_indices = #map}, {transform_indices = #map1}, {transform_indices = #map}, {transform_indices = #map}]} {
    %mul3A = arith.constant 2 : i32
    %mul3A_0 = arith.muli %arg1, %mul3A : i32
    %add3A = arith.addi %mul3A_0, %arg0 : i32
    %mul3A_1 = arith.constant 25600 : i32
    %mul3A_2 = arith.muli %add3A, %mul3A_1 : i32
    %multiple_of3A = tpu.assume_multiple %mul3A_2, 8 : i32
    "tpu.region"() ({
      %run_scoped3A = tpu.sem_alloc : memref<!tpu.dma_semaphore, #tpu.memory_space<semaphore_mem>>
      %dma_start3A_209 = tpu.memref_slice %arg3[%multiple_of3A] : memref<819200xi32, #tpu.memory_space<hbm>> -> memref<25600xi32, #tpu.memory_space<hbm>>
      %dma_start3A_210 = tpu.memref_slice %arg3[%multiple_of3A] : memref<819200xi32, #tpu.memory_space<hbm>> -> memref<25600xi32, #tpu.memory_space<hbm>>
      tpu.enqueue_dma source(%dma_start3A_210 : memref<25600xi32, #tpu.memory_space<hbm>>) target(%arg6 : memref<25600xi32, #tpu.memory_space<vmem>>) target_semaphore(%run_scoped3A : memref<!tpu.dma_semaphore, #tpu.memory_space<semaphore_mem>>)
      %dma_wait3A_211 = tpu.memref_slice %arg3[%multiple_of3A] : memref<819200xi32, #tpu.memory_space<hbm>> -> memref<25600xi32, #tpu.memory_space<hbm>>
      %dma_wait3A_212 = tpu.memref_slice %arg3[%multiple_of3A] : memref<819200xi32, #tpu.memory_space<hbm>> -> memref<25600xi32, #tpu.memory_space<hbm>>
      tpu.wait_dma2 semaphore(%run_scoped3A : memref<!tpu.dma_semaphore, #tpu.memory_space<semaphore_mem>>) src(%dma_wait3A_212 : memref<25600xi32, #tpu.memory_space<hbm>>) dst(%arg6 : memref<25600xi32, #tpu.memory_space<vmem>>)
      tpu.yield
    }) : () -> ()
    "tpu.region"() ({
      %run_scoped3A = tpu.sem_alloc : memref<!tpu.dma_semaphore, #tpu.memory_space<semaphore_mem>>
      tpu.enqueue_dma source(%arg4 : memref<200x64xf32, #tpu.memory_space<hbm>>) target(%arg7 : memref<200x64xf32, #tpu.memory_space<vmem>>) target_semaphore(%run_scoped3A : memref<!tpu.dma_semaphore, #tpu.memory_space<semaphore_mem>>)
      tpu.wait_dma2 semaphore(%run_scoped3A : memref<!tpu.dma_semaphore, #tpu.memory_space<semaphore_mem>>) src(%arg4 : memref<200x64xf32, #tpu.memory_space<hbm>>) dst(%arg7 : memref<200x64xf32, #tpu.memory_space<vmem>>)
      tpu.yield
    }) : () -> ()
    %multiple_of3A_3 = arith.constant 0 : i32
    %multiple_of3A_4 = tpu.assume_multiple %multiple_of3A_3, 8 : i32
    %dma_start3A = arith.constant 0 : i32
    %dma_start3A_5 = arith.constant 0 : i32
    %dma_start3A_6 = tpu.memref_slice %arg8[%dma_start3A, %dma_start3A_5] : memref<200x64xf32, #tpu.memory_space<vmem>> -> memref<128x64xf32, #tpu.memory_space<vmem>>
    %dma_start3A_7 = tpu.memref_slice %arg6[%multiple_of3A_4] : memref<25600xi32, #tpu.memory_space<vmem>> -> memref<128xi32, #tpu.memory_space<vmem>>
    %dma_start3A_8 = arith.constant 0 : i32
    %dma_start3A_9 = arith.constant 0 : i32
    %dma_start3A_10 = tpu.memref_slice %arg2[%dma_start3A_8, %dma_start3A_9] : memref<1000000x64xf32, #tpu.memory_space<hbm>> -> memref<1000000x64xf32, #tpu.memory_space<hbm>>
    tpu.enqueue_indirect_dma source(%dma_start3A_10 : memref<1000000x64xf32, #tpu.memory_space<hbm>>) target(%dma_start3A_6 : memref<128x64xf32, #tpu.memory_space<vmem>>) offsets(%dma_start3A_7 : memref<128xi32, #tpu.memory_space<vmem>>) semaphore(%arg12 : memref<!tpu.dma_semaphore, #tpu.memory_space<semaphore_mem>>)
    %add3A_11 = arith.constant 128 : i32
    %add3A_12 = arith.addi %multiple_of3A_4, %add3A_11 : i32
    %dma_start3A_13 = arith.constant 128 : i32
    %dma_start3A_14 = arith.constant 0 : i32
    %dma_start3A_15 = tpu.memref_slice %arg8[%dma_start3A_13, %dma_start3A_14] : memref<200x64xf32, #tpu.memory_space<vmem>> -> memref<72x64xf32, #tpu.memory_space<vmem>>
    %dma_start3A_16 = tpu.memref_slice %arg6[%add3A_12] : memref<25600xi32, #tpu.memory_space<vmem>> -> memref<72xi32, #tpu.memory_space<vmem>>
    %dma_start3A_17 = arith.constant 0 : i32
    %dma_start3A_18 = arith.constant 0 : i32
    %dma_start3A_19 = tpu.memref_slice %arg2[%dma_start3A_17, %dma_start3A_18] : memref<1000000x64xf32, #tpu.memory_space<hbm>> -> memref<1000000x64xf32, #tpu.memory_space<hbm>>
    tpu.enqueue_indirect_dma source(%dma_start3A_19 : memref<1000000x64xf32, #tpu.memory_space<hbm>>) target(%dma_start3A_15 : memref<72x64xf32, #tpu.memory_space<vmem>>) offsets(%dma_start3A_16 : memref<72xi32, #tpu.memory_space<vmem>>) semaphore(%arg12 : memref<!tpu.dma_semaphore, #tpu.memory_space<semaphore_mem>>)
    %multiple_of3A_20 = arith.constant 200 : i32
    %multiple_of3A_21 = tpu.assume_multiple %multiple_of3A_20, 8 : i32
    %dma_start3A_22 = arith.constant 0 : i32
    %dma_start3A_23 = arith.constant 0 : i32
    %dma_start3A_24 = tpu.memref_slice %arg9[%dma_start3A_22, %dma_start3A_23] : memref<200x64xf32, #tpu.memory_space<vmem>> -> memref<128x64xf32, #tpu.memory_space<vmem>>
    %dma_start3A_25 = tpu.memref_slice %arg6[%multiple_of3A_21] : memref<25600xi32, #tpu.memory_space<vmem>> -> memref<128xi32, #tpu.memory_space<vmem>>
    %dma_start3A_26 = arith.constant 0 : i32
    %dma_start3A_27 = arith.constant 0 : i32
    %dma_start3A_28 = tpu.memref_slice %arg2[%dma_start3A_26, %dma_start3A_27] : memref<1000000x64xf32, #tpu.memory_space<hbm>> -> memref<1000000x64xf32, #tpu.memory_space<hbm>>
    tpu.enqueue_indirect_dma source(%dma_start3A_28 : memref<1000000x64xf32, #tpu.memory_space<hbm>>) target(%dma_start3A_24 : memref<128x64xf32, #tpu.memory_space<vmem>>) offsets(%dma_start3A_25 : memref<128xi32, #tpu.memory_space<vmem>>) semaphore(%arg13 : memref<!tpu.dma_semaphore, #tpu.memory_space<semaphore_mem>>)
    %add3A_29 = arith.constant 128 : i32
    %add3A_30 = arith.addi %multiple_of3A_21, %add3A_29 : i32
    %dma_start3A_31 = arith.constant 128 : i32
    %dma_start3A_32 = arith.constant 0 : i32
    %dma_start3A_33 = tpu.memref_slice %arg9[%dma_start3A_31, %dma_start3A_32] : memref<200x64xf32, #tpu.memory_space<vmem>> -> memref<72x64xf32, #tpu.memory_space<vmem>>
    %dma_start3A_34 = tpu.memref_slice %arg6[%add3A_30] : memref<25600xi32, #tpu.memory_space<vmem>> -> memref<72xi32, #tpu.memory_space<vmem>>
    %dma_start3A_35 = arith.constant 0 : i32
    %dma_start3A_36 = arith.constant 0 : i32
    %dma_start3A_37 = tpu.memref_slice %arg2[%dma_start3A_35, %dma_start3A_36] : memref<1000000x64xf32, #tpu.memory_space<hbm>> -> memref<1000000x64xf32, #tpu.memory_space<hbm>>
    tpu.enqueue_indirect_dma source(%dma_start3A_37 : memref<1000000x64xf32, #tpu.memory_space<hbm>>) target(%dma_start3A_33 : memref<72x64xf32, #tpu.memory_space<vmem>>) offsets(%dma_start3A_34 : memref<72xi32, #tpu.memory_space<vmem>>) semaphore(%arg13 : memref<!tpu.dma_semaphore, #tpu.memory_space<semaphore_mem>>)
    %dma_wait3A = arith.constant 0 : i32
    %dma_wait3A_38 = arith.constant 0 : i32
    %dma_wait3A_39 = tpu.memref_slice %arg8[%dma_wait3A, %dma_wait3A_38] : memref<200x64xf32, #tpu.memory_space<vmem>> -> memref<128x64xf32, #tpu.memory_space<vmem>>
    %dma_wait3A_40 = arith.constant 0 : i32
    %dma_wait3A_41 = tpu.memref_slice %arg6[%dma_wait3A_40] : memref<25600xi32, #tpu.memory_space<vmem>> -> memref<128xi32, #tpu.memory_space<vmem>>
    %dma_wait3A_42 = arith.constant 0 : i32
    %dma_wait3A_43 = arith.constant 0 : i32
    %dma_wait3A_44 = tpu.memref_slice %arg2[%dma_wait3A_42, %dma_wait3A_43] : memref<1000000x64xf32, #tpu.memory_space<hbm>> -> memref<1000000x64xf32, #tpu.memory_space<hbm>>
    tpu.wait_indirect_dma semaphore(%arg12 : memref<!tpu.dma_semaphore, #tpu.memory_space<semaphore_mem>>) src(%dma_wait3A_44 : memref<1000000x64xf32, #tpu.memory_space<hbm>>) dst(%dma_wait3A_39 : memref<128x64xf32, #tpu.memory_space<vmem>>)
    %dma_wait3A_45 = arith.constant 128 : i32
    %dma_wait3A_46 = arith.constant 0 : i32
    %dma_wait3A_47 = tpu.memref_slice %arg8[%dma_wait3A_45, %dma_wait3A_46] : memref<200x64xf32, #tpu.memory_space<vmem>> -> memref<72x64xf32, #tpu.memory_space<vmem>>
    %dma_wait3A_48 = arith.constant 0 : i32
    %dma_wait3A_49 = tpu.memref_slice %arg6[%dma_wait3A_48] : memref<25600xi32, #tpu.memory_space<vmem>> -> memref<72xi32, #tpu.memory_space<vmem>>
    %dma_wait3A_50 = arith.constant 0 : i32
    %dma_wait3A_51 = arith.constant 0 : i32
    %dma_wait3A_52 = tpu.memref_slice %arg2[%dma_wait3A_50, %dma_wait3A_51] : memref<1000000x64xf32, #tpu.memory_space<hbm>> -> memref<1000000x64xf32, #tpu.memory_space<hbm>>
    tpu.wait_indirect_dma semaphore(%arg12 : memref<!tpu.dma_semaphore, #tpu.memory_space<semaphore_mem>>) src(%dma_wait3A_52 : memref<1000000x64xf32, #tpu.memory_space<hbm>>) dst(%dma_wait3A_47 : memref<72x64xf32, #tpu.memory_space<vmem>>)
    %scan3A = arith.constant 0 : i32
    %scan3A_53 = arith.constant 200 : i32
    %scan3A_54 = arith.addi %scan3A, %scan3A_53 : i32
    %scan3A_55 = arith.constant 2 : i32
    scf.for %scan3A_209 = %scan3A to %scan3A_54 step %scan3A_55  : i32 {
      %get3A = arith.index_cast %scan3A_209 : i32 to index
      %get3A_210 = arith.constant 0 : index
      %get3A_211 = tpu.vector_load %arg8[%get3A, %get3A_210] {strides = array<i32>} : memref<200x64xf32, #tpu.memory_space<vmem>>, vector<1x16xf32>,
      %get3A_212 = vector.shape_cast %get3A_211 : vector<1x16xf32> to vector<16xf32>
      %get3A_213 = arith.index_cast %scan3A_209 : i32 to index
      %get3A_214 = arith.constant 0 : index
      %get3A_215 = tpu.vector_load %arg7[%get3A_213, %get3A_214] {strides = array<i32>} : memref<200x64xf32, #tpu.memory_space<vmem>>, vector<1x16xf32>,
      %get3A_216 = vector.shape_cast %get3A_215 : vector<1x16xf32> to vector<16xf32>
      %add3A_217 = arith.addf %get3A_212, %get3A_216 : vector<16xf32>
      %swap3A = arith.index_cast %scan3A_209 : i32 to index
      %swap3A_218 = arith.constant 0 : index
      %swap3A_219 = tpu.vector_load %arg10[%swap3A, %swap3A_218] {strides = array<i32>} : memref<200x64xf32, #tpu.memory_space<vmem>>, vector<1x16xf32>,
      %swap3A_220 = vector.shape_cast %swap3A_219 : vector<1x16xf32> to vector<16xf32>
      %swap3A_221 = vector.shape_cast %add3A_217 : vector<16xf32> to vector<1x16xf32>
      tpu.vector_store %arg10[%swap3A, %swap3A_218], %swap3A_221 {strides = array<i32>} : memref<200x64xf32, #tpu.memory_space<vmem>>, vector<1x16xf32>,
      %get3A_222 = arith.index_cast %scan3A_209 : i32 to index
      %get3A_223 = arith.constant 16 : index
      %get3A_224 = tpu.vector_load %arg8[%get3A_222, %get3A_223] {strides = array<i32>} : memref<200x64xf32, #tpu.memory_space<vmem>>, vector<1x16xf32>,
      %get3A_225 = vector.shape_cast %get3A_224 : vector<1x16xf32> to vector<16xf32>
      %get3A_226 = arith.index_cast %scan3A_209 : i32 to index
      %get3A_227 = arith.constant 16 : index
      %get3A_228 = tpu.vector_load %arg7[%get3A_226, %get3A_227] {strides = array<i32>} : memref<200x64xf32, #tpu.memory_space<vmem>>, vector<1x16xf32>,
      %get3A_229 = vector.shape_cast %get3A_228 : vector<1x16xf32> to vector<16xf32>
      %add3A_230 = arith.addf %get3A_225, %get3A_229 : vector<16xf32>
      %swap3A_231 = arith.index_cast %scan3A_209 : i32 to index
      %swap3A_232 = arith.constant 16 : index
      %swap3A_233 = tpu.vector_load %arg10[%swap3A_231, %swap3A_232] {strides = array<i32>} : memref<200x64xf32, #tpu.memory_space<vmem>>, vector<1x16xf32>,
      %swap3A_234 = vector.shape_cast %swap3A_233 : vector<1x16xf32> to vector<16xf32>
      %swap3A_235 = vector.shape_cast %add3A_230 : vector<16xf32> to vector<1x16xf32>
      tpu.vector_store %arg10[%swap3A_231, %swap3A_232], %swap3A_235 {strides = array<i32>} : memref<200x64xf32, #tpu.memory_space<vmem>>, vector<1x16xf32>,
      %get3A_236 = arith.index_cast %scan3A_209 : i32 to index
      %get3A_237 = arith.constant 32 : index
      %get3A_238 = tpu.vector_load %arg8[%get3A_236, %get3A_237] {strides = array<i32>} : memref<200x64xf32, #tpu.memory_space<vmem>>, vector<1x16xf32>,
      %get3A_239 = vector.shape_cast %get3A_238 : vector<1x16xf32> to vector<16xf32>
      %get3A_240 = arith.index_cast %scan3A_209 : i32 to index
      %get3A_241 = arith.constant 32 : index
      %get3A_242 = tpu.vector_load %arg7[%get3A_240, %get3A_241] {strides = array<i32>} : memref<200x64xf32, #tpu.memory_space<vmem>>, vector<1x16xf32>,
      %get3A_243 = vector.shape_cast %get3A_242 : vector<1x16xf32> to vector<16xf32>
      %add3A_244 = arith.addf %get3A_239, %get3A_243 : vector<16xf32>
      %swap3A_245 = arith.index_cast %scan3A_209 : i32 to index
      %swap3A_246 = arith.constant 32 : index
      %swap3A_247 = tpu.vector_load %arg10[%swap3A_245, %swap3A_246] {strides = array<i32>} : memref<200x64xf32, #tpu.memory_space<vmem>>, vector<1x16xf32>,
      %swap3A_248 = vector.shape_cast %swap3A_247 : vector<1x16xf32> to vector<16xf32>
      %swap3A_249 = vector.shape_cast %add3A_244 : vector<16xf32> to vector<1x16xf32>
      tpu.vector_store %arg10[%swap3A_245, %swap3A_246], %swap3A_249 {strides = array<i32>} : memref<200x64xf32, #tpu.memory_space<vmem>>, vector<1x16xf32>,
      %get3A_250 = arith.index_cast %scan3A_209 : i32 to index
      %get3A_251 = arith.constant 48 : index
      %get3A_252 = tpu.vector_load %arg8[%get3A_250, %get3A_251] {strides = array<i32>} : memref<200x64xf32, #tpu.memory_space<vmem>>, vector<1x16xf32>,
      %get3A_253 = vector.shape_cast %get3A_252 : vector<1x16xf32> to vector<16xf32>
      %get3A_254 = arith.index_cast %scan3A_209 : i32 to index
      %get3A_255 = arith.constant 48 : index
      %get3A_256 = tpu.vector_load %arg7[%get3A_254, %get3A_255] {strides = array<i32>} : memref<200x64xf32, #tpu.memory_space<vmem>>, vector<1x16xf32>,
      %get3A_257 = vector.shape_cast %get3A_256 : vector<1x16xf32> to vector<16xf32>
      %add3A_258 = arith.addf %get3A_253, %get3A_257 : vector<16xf32>
      %swap3A_259 = arith.index_cast %scan3A_209 : i32 to index
      %swap3A_260 = arith.constant 48 : index
      %swap3A_261 = tpu.vector_load %arg10[%swap3A_259, %swap3A_260] {strides = array<i32>} : memref<200x64xf32, #tpu.memory_space<vmem>>, vector<1x16xf32>,
      %swap3A_262 = vector.shape_cast %swap3A_261 : vector<1x16xf32> to vector<16xf32>
      %swap3A_263 = vector.shape_cast %add3A_258 : vector<16xf32> to vector<1x16xf32>
      tpu.vector_store %arg10[%swap3A_259, %swap3A_260], %swap3A_263 {strides = array<i32>} : memref<200x64xf32, #tpu.memory_space<vmem>>, vector<1x16xf32>,
      %scan3A_264 = arith.constant 1 : i32
      %scan3A_265 = arith.addi %scan3A_209, %scan3A_264 : i32
      %get3A_266 = arith.index_cast %scan3A_265 : i32 to index
      %get3A_267 = arith.constant 0 : index
      %get3A_268 = tpu.vector_load %arg8[%get3A_266, %get3A_267] {strides = array<i32>} : memref<200x64xf32, #tpu.memory_space<vmem>>, vector<1x16xf32>,
      %get3A_269 = vector.shape_cast %get3A_268 : vector<1x16xf32> to vector<16xf32>
      %get3A_270 = arith.index_cast %scan3A_265 : i32 to index
      %get3A_271 = arith.constant 0 : index
      %get3A_272 = tpu.vector_load %arg7[%get3A_270, %get3A_271] {strides = array<i32>} : memref<200x64xf32, #tpu.memory_space<vmem>>, vector<1x16xf32>,
      %get3A_273 = vector.shape_cast %get3A_272 : vector<1x16xf32> to vector<16xf32>
      %add3A_274 = arith.addf %get3A_269, %get3A_273 : vector<16xf32>
      %swap3A_275 = arith.index_cast %scan3A_265 : i32 to index
      %swap3A_276 = arith.constant 0 : index
      %swap3A_277 = tpu.vector_load %arg10[%swap3A_275, %swap3A_276] {strides = array<i32>} : memref<200x64xf32, #tpu.memory_space<vmem>>, vector<1x16xf32>,
      %swap3A_278 = vector.shape_cast %swap3A_277 : vector<1x16xf32> to vector<16xf32>
      %swap3A_279 = vector.shape_cast %add3A_274 : vector<16xf32> to vector<1x16xf32>
      tpu.vector_store %arg10[%swap3A_275, %swap3A_276], %swap3A_279 {strides = array<i32>} : memref<200x64xf32, #tpu.memory_space<vmem>>, vector<1x16xf32>,
      %get3A_280 = arith.index_cast %scan3A_265 : i32 to index
      %get3A_281 = arith.constant 16 : index
      %get3A_282 = tpu.vector_load %arg8[%get3A_280, %get3A_281] {strides = array<i32>} : memref<200x64xf32, #tpu.memory_space<vmem>>, vector<1x16xf32>,
      %get3A_283 = vector.shape_cast %get3A_282 : vector<1x16xf32> to vector<16xf32>
      %get3A_284 = arith.index_cast %scan3A_265 : i32 to index
      %get3A_285 = arith.constant 16 : index
      %get3A_286 = tpu.vector_load %arg7[%get3A_284, %get3A_285] {strides = array<i32>} : memref<200x64xf32, #tpu.memory_space<vmem>>, vector<1x16xf32>,
      %get3A_287 = vector.shape_cast %get3A_286 : vector<1x16xf32> to vector<16xf32>
      %add3A_288 = arith.addf %get3A_283, %get3A_287 : vector<16xf32>
      %swap3A_289 = arith.index_cast %scan3A_265 : i32 to index
      %swap3A_290 = arith.constant 16 : index
      %swap3A_291 = tpu.vector_load %arg10[%swap3A_289, %swap3A_290] {strides = array<i32>} : memref<200x64xf32, #tpu.memory_space<vmem>>, vector<1x16xf32>,
      %swap3A_292 = vector.shape_cast %swap3A_291 : vector<1x16xf32> to vector<16xf32>
      %swap3A_293 = vector.shape_cast %add3A_288 : vector<16xf32> to vector<1x16xf32>
      tpu.vector_store %arg10[%swap3A_289, %swap3A_290], %swap3A_293 {strides = array<i32>} : memref<200x64xf32, #tpu.memory_space<vmem>>, vector<1x16xf32>,
      %get3A_294 = arith.index_cast %scan3A_265 : i32 to index
      %get3A_295 = arith.constant 32 : index
      %get3A_296 = tpu.vector_load %arg8[%get3A_294, %get3A_295] {strides = array<i32>} : memref<200x64xf32, #tpu.memory_space<vmem>>, vector<1x16xf32>,
      %get3A_297 = vector.shape_cast %get3A_296 : vector<1x16xf32> to vector<16xf32>
      %get3A_298 = arith.index_cast %scan3A_265 : i32 to index
      %get3A_299 = arith.constant 32 : index
      %get3A_300 = tpu.vector_load %arg7[%get3A_298, %get3A_299] {strides = array<i32>} : memref<200x64xf32, #tpu.memory_space<vmem>>, vector<1x16xf32>,
      %get3A_301 = vector.shape_cast %get3A_300 : vector<1x16xf32> to vector<16xf32>
      %add3A_302 = arith.addf %get3A_297, %get3A_301 : vector<16xf32>
      %swap3A_303 = arith.index_cast %scan3A_265 : i32 to index
      %swap3A_304 = arith.constant 32 : index
      %swap3A_305 = tpu.vector_load %arg10[%swap3A_303, %swap3A_304] {strides = array<i32>} : memref<200x64xf32, #tpu.memory_space<vmem>>, vector<1x16xf32>,
      %swap3A_306 = vector.shape_cast %swap3A_305 : vector<1x16xf32> to vector<16xf32>
      %swap3A_307 = vector.shape_cast %add3A_302 : vector<16xf32> to vector<1x16xf32>
      tpu.vector_store %arg10[%swap3A_303, %swap3A_304], %swap3A_307 {strides = array<i32>} : memref<200x64xf32, #tpu.memory_space<vmem>>, vector<1x16xf32>,
      %get3A_308 = arith.index_cast %scan3A_265 : i32 to index
      %get3A_309 = arith.constant 48 : index
      %get3A_310 = tpu.vector_load %arg8[%get3A_308, %get3A_309] {strides = array<i32>} : memref<200x64xf32, #tpu.memory_space<vmem>>, vector<1x16xf32>,
      %get3A_311 = vector.shape_cast %get3A_310 : vector<1x16xf32> to vector<16xf32>
      %get3A_312 = arith.index_cast %scan3A_265 : i32 to index
      %get3A_313 = arith.constant 48 : index
      %get3A_314 = tpu.vector_load %arg7[%get3A_312, %get3A_313] {strides = array<i32>} : memref<200x64xf32, #tpu.memory_space<vmem>>, vector<1x16xf32>,
      %get3A_315 = vector.shape_cast %get3A_314 : vector<1x16xf32> to vector<16xf32>
      %add3A_316 = arith.addf %get3A_311, %get3A_315 : vector<16xf32>
      %swap3A_317 = arith.index_cast %scan3A_265 : i32 to index
      %swap3A_318 = arith.constant 48 : index
      %swap3A_319 = tpu.vector_load %arg10[%swap3A_317, %swap3A_318] {strides = array<i32>} : memref<200x64xf32, #tpu.memory_space<vmem>>, vector<1x16xf32>,
      %swap3A_320 = vector.shape_cast %swap3A_319 : vector<1x16xf32> to vector<16xf32>
      %swap3A_321 = vector.shape_cast %add3A_316 : vector<16xf32> to vector<1x16xf32>
      tpu.vector_store %arg10[%swap3A_317, %swap3A_318], %swap3A_321 {strides = array<i32>} : memref<200x64xf32, #tpu.memory_space<vmem>>, vector<1x16xf32>,
    }
    %scan3A_56 = arith.constant 200 : i32
    %multiple_of3A_57 = arith.constant 400 : i32
    %multiple_of3A_58 = tpu.assume_multiple %multiple_of3A_57, 8 : i32
    %dma_start3A_59 = arith.constant 0 : i32
    %dma_start3A_60 = arith.constant 0 : i32
    %dma_start3A_61 = tpu.memref_slice %arg8[%dma_start3A_59, %dma_start3A_60] : memref<200x64xf32, #tpu.memory_space<vmem>> -> memref<128x64xf32, #tpu.memory_space<vmem>>
    %dma_start3A_62 = tpu.memref_slice %arg6[%multiple_of3A_58] : memref<25600xi32, #tpu.memory_space<vmem>> -> memref<128xi32, #tpu.memory_space<vmem>>
    %dma_start3A_63 = arith.constant 0 : i32
    %dma_start3A_64 = arith.constant 0 : i32
    %dma_start3A_65 = tpu.memref_slice %arg2[%dma_start3A_63, %dma_start3A_64] : memref<1000000x64xf32, #tpu.memory_space<hbm>> -> memref<1000000x64xf32, #tpu.memory_space<hbm>>
    tpu.enqueue_indirect_dma source(%dma_start3A_65 : memref<1000000x64xf32, #tpu.memory_space<hbm>>) target(%dma_start3A_61 : memref<128x64xf32, #tpu.memory_space<vmem>>) offsets(%dma_start3A_62 : memref<128xi32, #tpu.memory_space<vmem>>) semaphore(%arg12 : memref<!tpu.dma_semaphore, #tpu.memory_space<semaphore_mem>>)
    %add3A_66 = arith.constant 128 : i32
    %add3A_67 = arith.addi %multiple_of3A_58, %add3A_66 : i32
    %dma_start3A_68 = arith.constant 128 : i32
    %dma_start3A_69 = arith.constant 0 : i32
    %dma_start3A_70 = tpu.memref_slice %arg8[%dma_start3A_68, %dma_start3A_69] : memref<200x64xf32, #tpu.memory_space<vmem>> -> memref<72x64xf32, #tpu.memory_space<vmem>>
    %dma_start3A_71 = tpu.memref_slice %arg6[%add3A_67] : memref<25600xi32, #tpu.memory_space<vmem>> -> memref<72xi32, #tpu.memory_space<vmem>>
    %dma_start3A_72 = arith.constant 0 : i32
    %dma_start3A_73 = arith.constant 0 : i32
    %dma_start3A_74 = tpu.memref_slice %arg2[%dma_start3A_72, %dma_start3A_73] : memref<1000000x64xf32, #tpu.memory_space<hbm>> -> memref<1000000x64xf32, #tpu.memory_space<hbm>>
    tpu.enqueue_indirect_dma source(%dma_start3A_74 : memref<1000000x64xf32, #tpu.memory_space<hbm>>) target(%dma_start3A_70 : memref<72x64xf32, #tpu.memory_space<vmem>>) offsets(%dma_start3A_71 : memref<72xi32, #tpu.memory_space<vmem>>) semaphore(%arg12 : memref<!tpu.dma_semaphore, #tpu.memory_space<semaphore_mem>>)
    %add3A_75 = arith.constant 0 : i32
    %add3A_76 = arith.addi %multiple_of3A, %add3A_75 : i32
    %dma_start3A_77 = arith.constant 0 : i32
    %dma_start3A_78 = tpu.memref_slice %arg5[%add3A_76, %dma_start3A_77] : memref<819200x64xf32, #tpu.memory_space<hbm>> -> memref<200x64xf32, #tpu.memory_space<hbm>>
    %dma_start3A_79 = arith.constant 0 : i32
    %dma_start3A_80 = tpu.memref_slice %arg5[%add3A_76, %dma_start3A_79] : memref<819200x64xf32, #tpu.memory_space<hbm>> -> memref<200x64xf32, #tpu.memory_space<hbm>>
    tpu.enqueue_dma source(%arg10 : memref<200x64xf32, #tpu.memory_space<vmem>>) target(%dma_start3A_80 : memref<200x64xf32, #tpu.memory_space<hbm>>) target_semaphore(%arg14 : memref<!tpu.dma_semaphore, #tpu.memory_space<semaphore_mem>>)
    %dma_wait3A_81 = arith.constant 0 : i32
    %dma_wait3A_82 = arith.constant 0 : i32
    %dma_wait3A_83 = tpu.memref_slice %arg9[%dma_wait3A_81, %dma_wait3A_82] : memref<200x64xf32, #tpu.memory_space<vmem>> -> memref<128x64xf32, #tpu.memory_space<vmem>>
    %dma_wait3A_84 = arith.constant 0 : i32
    %dma_wait3A_85 = tpu.memref_slice %arg6[%dma_wait3A_84] : memref<25600xi32, #tpu.memory_space<vmem>> -> memref<128xi32, #tpu.memory_space<vmem>>
    %dma_wait3A_86 = arith.constant 0 : i32
    %dma_wait3A_87 = arith.constant 0 : i32
    %dma_wait3A_88 = tpu.memref_slice %arg2[%dma_wait3A_86, %dma_wait3A_87] : memref<1000000x64xf32, #tpu.memory_space<hbm>> -> memref<1000000x64xf32, #tpu.memory_space<hbm>>
    tpu.wait_indirect_dma semaphore(%arg13 : memref<!tpu.dma_semaphore, #tpu.memory_space<semaphore_mem>>) src(%dma_wait3A_88 : memref<1000000x64xf32, #tpu.memory_space<hbm>>) dst(%dma_wait3A_83 : memref<128x64xf32, #tpu.memory_space<vmem>>)
    %dma_wait3A_89 = arith.constant 128 : i32
    %dma_wait3A_90 = arith.constant 0 : i32
    %dma_wait3A_91 = tpu.memref_slice %arg9[%dma_wait3A_89, %dma_wait3A_90] : memref<200x64xf32, #tpu.memory_space<vmem>> -> memref<72x64xf32, #tpu.memory_space<vmem>>
    %dma_wait3A_92 = arith.constant 0 : i32
    %dma_wait3A_93 = tpu.memref_slice %arg6[%dma_wait3A_92] : memref<25600xi32, #tpu.memory_space<vmem>> -> memref<72xi32, #tpu.memory_space<vmem>>
    %dma_wait3A_94 = arith.constant 0 : i32
    %dma_wait3A_95 = arith.constant 0 : i32
    %dma_wait3A_96 = tpu.memref_slice %arg2[%dma_wait3A_94, %dma_wait3A_95] : memref<1000000x64xf32, #tpu.memory_space<hbm>> -> memref<1000000x64xf32, #tpu.memory_space<hbm>>
    tpu.wait_indirect_dma semaphore(%arg13 : memref<!tpu.dma_semaphore, #tpu.memory_space<semaphore_mem>>) src(%dma_wait3A_96 : memref<1000000x64xf32, #tpu.memory_space<hbm>>) dst(%dma_wait3A_91 : memref<72x64xf32, #tpu.memory_space<vmem>>)
    %scan3A_97 = arith.constant 0 : i32
    %scan3A_98 = arith.constant 200 : i32
    %scan3A_99 = arith.addi %scan3A_97, %scan3A_98 : i32
    %scan3A_100 = arith.constant 2 : i32
    scf.for %scan3A_209 = %scan3A_97 to %scan3A_99 step %scan3A_100  : i32 {
      %get3A = arith.index_cast %scan3A_209 : i32 to index
      %get3A_210 = arith.constant 0 : index
      %get3A_211 = tpu.vector_load %arg9[%get3A, %get3A_210] {strides = array<i32>} : memref<200x64xf32, #tpu.memory_space<vmem>>, vector<1x16xf32>,
      %get3A_212 = vector.shape_cast %get3A_211 : vector<1x16xf32> to vector<16xf32>
      %get3A_213 = arith.index_cast %scan3A_209 : i32 to index
      %get3A_214 = arith.constant 0 : index
      %get3A_215 = tpu.vector_load %arg7[%get3A_213, %get3A_214] {strides = array<i32>} : memref<200x64xf32, #tpu.memory_space<vmem>>, vector<1x16xf32>,
      %get3A_216 = vector.shape_cast %get3A_215 : vector<1x16xf32> to vector<16xf32>
      %add3A_217 = arith.addf %get3A_212, %get3A_216 : vector<16xf32>
      %swap3A = arith.index_cast %scan3A_209 : i32 to index
      %swap3A_218 = arith.constant 0 : index
      %swap3A_219 = tpu.vector_load %arg11[%swap3A, %swap3A_218] {strides = array<i32>} : memref<200x64xf32, #tpu.memory_space<vmem>>, vector<1x16xf32>,
      %swap3A_220 = vector.shape_cast %swap3A_219 : vector<1x16xf32> to vector<16xf32>
      %swap3A_221 = vector.shape_cast %add3A_217 : vector<16xf32> to vector<1x16xf32>
      tpu.vector_store %arg11[%swap3A, %swap3A_218], %swap3A_221 {strides = array<i32>} : memref<200x64xf32, #tpu.memory_space<vmem>>, vector<1x16xf32>,
      %get3A_222 = arith.index_cast %scan3A_209 : i32 to index
      %get3A_223 = arith.constant 16 : index
      %get3A_224 = tpu.vector_load %arg9[%get3A_222, %get3A_223] {strides = array<i32>} : memref<200x64xf32, #tpu.memory_space<vmem>>, vector<1x16xf32>,
      %get3A_225 = vector.shape_cast %get3A_224 : vector<1x16xf32> to vector<16xf32>
      %get3A_226 = arith.index_cast %scan3A_209 : i32 to index
      %get3A_227 = arith.constant 16 : index
      %get3A_228 = tpu.vector_load %arg7[%get3A_226, %get3A_227] {strides = array<i32>} : memref<200x64xf32, #tpu.memory_space<vmem>>, vector<1x16xf32>,
      %get3A_229 = vector.shape_cast %get3A_228 : vector<1x16xf32> to vector<16xf32>
      %add3A_230 = arith.addf %get3A_225, %get3A_229 : vector<16xf32>
      %swap3A_231 = arith.index_cast %scan3A_209 : i32 to index
      %swap3A_232 = arith.constant 16 : index
      %swap3A_233 = tpu.vector_load %arg11[%swap3A_231, %swap3A_232] {strides = array<i32>} : memref<200x64xf32, #tpu.memory_space<vmem>>, vector<1x16xf32>,
      %swap3A_234 = vector.shape_cast %swap3A_233 : vector<1x16xf32> to vector<16xf32>
      %swap3A_235 = vector.shape_cast %add3A_230 : vector<16xf32> to vector<1x16xf32>
      tpu.vector_store %arg11[%swap3A_231, %swap3A_232], %swap3A_235 {strides = array<i32>} : memref<200x64xf32, #tpu.memory_space<vmem>>, vector<1x16xf32>,
      %get3A_236 = arith.index_cast %scan3A_209 : i32 to index
      %get3A_237 = arith.constant 32 : index
      %get3A_238 = tpu.vector_load %arg9[%get3A_236, %get3A_237] {strides = array<i32>} : memref<200x64xf32, #tpu.memory_space<vmem>>, vector<1x16xf32>,
      %get3A_239 = vector.shape_cast %get3A_238 : vector<1x16xf32> to vector<16xf32>
      %get3A_240 = arith.index_cast %scan3A_209 : i32 to index
      %get3A_241 = arith.constant 32 : index
      %get3A_242 = tpu.vector_load %arg7[%get3A_240, %get3A_241] {strides = array<i32>} : memref<200x64xf32, #tpu.memory_space<vmem>>, vector<1x16xf32>,
      %get3A_243 = vector.shape_cast %get3A_242 : vector<1x16xf32> to vector<16xf32>
      %add3A_244 = arith.addf %get3A_239, %get3A_243 : vector<16xf32>
      %swap3A_245 = arith.index_cast %scan3A_209 : i32 to index
      %swap3A_246 = arith.constant 32 : index
      %swap3A_247 = tpu.vector_load %arg11[%swap3A_245, %swap3A_246] {strides = array<i32>} : memref<200x64xf32, #tpu.memory_space<vmem>>, vector<1x16xf32>,
      %swap3A_248 = vector.shape_cast %swap3A_247 : vector<1x16xf32> to vector<16xf32>
      %swap3A_249 = vector.shape_cast %add3A_244 : vector<16xf32> to vector<1x16xf32>
      tpu.vector_store %arg11[%swap3A_245, %swap3A_246], %swap3A_249 {strides = array<i32>} : memref<200x64xf32, #tpu.memory_space<vmem>>, vector<1x16xf32>,
      %get3A_250 = arith.index_cast %scan3A_209 : i32 to index
      %get3A_251 = arith.constant 48 : index
      %get3A_252 = tpu.vector_load %arg9[%get3A_250, %get3A_251] {strides = array<i32>} : memref<200x64xf32, #tpu.memory_space<vmem>>, vector<1x16xf32>,
      %get3A_253 = vector.shape_cast %get3A_252 : vector<1x16xf32> to vector<16xf32>
      %get3A_254 = arith.index_cast %scan3A_209 : i32 to index
      %get3A_255 = arith.constant 48 : index
      %get3A_256 = tpu.vector_load %arg7[%get3A_254, %get3A_255] {strides = array<i32>} : memref<200x64xf32, #tpu.memory_space<vmem>>, vector<1x16xf32>,
      %get3A_257 = vector.shape_cast %get3A_256 : vector<1x16xf32> to vector<16xf32>
      %add3A_258 = arith.addf %get3A_253, %get3A_257 : vector<16xf32>
      %swap3A_259 = arith.index_cast %scan3A_209 : i32 to index
      %swap3A_260 = arith.constant 48 : index
      %swap3A_261 = tpu.vector_load %arg11[%swap3A_259, %swap3A_260] {strides = array<i32>} : memref<200x64xf32, #tpu.memory_space<vmem>>, vector<1x16xf32>,
      %swap3A_262 = vector.shape_cast %swap3A_261 : vector<1x16xf32> to vector<16xf32>
      %swap3A_263 = vector.shape_cast %add3A_258 : vector<16xf32> to vector<1x16xf32>
      tpu.vector_store %arg11[%swap3A_259, %swap3A_260], %swap3A_263 {strides = array<i32>} : memref<200x64xf32, #tpu.memory_space<vmem>>, vector<1x16xf32>,
      %scan3A_264 = arith.constant 1 : i32
      %scan3A_265 = arith.addi %scan3A_209, %scan3A_264 : i32
      %get3A_266 = arith.index_cast %scan3A_265 : i32 to index
      %get3A_267 = arith.constant 0 : index
      %get3A_268 = tpu.vector_load %arg9[%get3A_266, %get3A_267] {strides = array<i32>} : memref<200x64xf32, #tpu.memory_space<vmem>>, vector<1x16xf32>,
      %get3A_269 = vector.shape_cast %get3A_268 : vector<1x16xf32> to vector<16xf32>
      %get3A_270 = arith.index_cast %scan3A_265 : i32 to index
      %get3A_271 = arith.constant 0 : index
      %get3A_272 = tpu.vector_load %arg7[%get3A_270, %get3A_271] {strides = array<i32>} : memref<200x64xf32, #tpu.memory_space<vmem>>, vector<1x16xf32>,
      %get3A_273 = vector.shape_cast %get3A_272 : vector<1x16xf32> to vector<16xf32>
      %add3A_274 = arith.addf %get3A_269, %get3A_273 : vector<16xf32>
      %swap3A_275 = arith.index_cast %scan3A_265 : i32 to index
      %swap3A_276 = arith.constant 0 : index
      %swap3A_277 = tpu.vector_load %arg11[%swap3A_275, %swap3A_276] {strides = array<i32>} : memref<200x64xf32, #tpu.memory_space<vmem>>, vector<1x16xf32>,
      %swap3A_278 = vector.shape_cast %swap3A_277 : vector<1x16xf32> to vector<16xf32>
      %swap3A_279 = vector.shape_cast %add3A_274 : vector<16xf32> to vector<1x16xf32>
      tpu.vector_store %arg11[%swap3A_275, %swap3A_276], %swap3A_279 {strides = array<i32>} : memref<200x64xf32, #tpu.memory_space<vmem>>, vector<1x16xf32>,
      %get3A_280 = arith.index_cast %scan3A_265 : i32 to index
      %get3A_281 = arith.constant 16 : index
      %get3A_282 = tpu.vector_load %arg9[%get3A_280, %get3A_281] {strides = array<i32>} : memref<200x64xf32, #tpu.memory_space<vmem>>, vector<1x16xf32>,
      %get3A_283 = vector.shape_cast %get3A_282 : vector<1x16xf32> to vector<16xf32>
      %get3A_284 = arith.index_cast %scan3A_265 : i32 to index
      %get3A_285 = arith.constant 16 : index
      %get3A_286 = tpu.vector_load %arg7[%get3A_284, %get3A_285] {strides = array<i32>} : memref<200x64xf32, #tpu.memory_space<vmem>>, vector<1x16xf32>,
      %get3A_287 = vector.shape_cast %get3A_286 : vector<1x16xf32> to vector<16xf32>
      %add3A_288 = arith.addf %get3A_283, %get3A_287 : vector<16xf32>
      %swap3A_289 = arith.index_cast %scan3A_265 : i32 to index
      %swap3A_290 = arith.constant 16 : index
      %swap3A_291 = tpu.vector_load %arg11[%swap3A_289, %swap3A_290] {strides = array<i32>} : memref<200x64xf32, #tpu.memory_space<vmem>>, vector<1x16xf32>,
      %swap3A_292 = vector.shape_cast %swap3A_291 : vector<1x16xf32> to vector<16xf32>
      %swap3A_293 = vector.shape_cast %add3A_288 : vector<16xf32> to vector<1x16xf32>
      tpu.vector_store %arg11[%swap3A_289, %swap3A_290], %swap3A_293 {strides = array<i32>} : memref<200x64xf32, #tpu.memory_space<vmem>>, vector<1x16xf32>,
      %get3A_294 = arith.index_cast %scan3A_265 : i32 to index
      %get3A_295 = arith.constant 32 : index
      %get3A_296 = tpu.vector_load %arg9[%get3A_294, %get3A_295] {strides = array<i32>} : memref<200x64xf32, #tpu.memory_space<vmem>>, vector<1x16xf32>,
      %get3A_297 = vector.shape_cast %get3A_296 : vector<1x16xf32> to vector<16xf32>
      %get3A_298 = arith.index_cast %scan3A_265 : i32 to index
      %get3A_299 = arith.constant 32 : index
      %get3A_300 = tpu.vector_load %arg7[%get3A_298, %get3A_299] {strides = array<i32>} : memref<200x64xf32, #tpu.memory_space<vmem>>, vector<1x16xf32>,
      %get3A_301 = vector.shape_cast %get3A_300 : vector<1x16xf32> to vector<16xf32>
      %add3A_302 = arith.addf %get3A_297, %get3A_301 : vector<16xf32>
      %swap3A_303 = arith.index_cast %scan3A_265 : i32 to index
      %swap3A_304 = arith.constant 32 : index
      %swap3A_305 = tpu.vector_load %arg11[%swap3A_303, %swap3A_304] {strides = array<i32>} : memref<200x64xf32, #tpu.memory_space<vmem>>, vector<1x16xf32>,
      %swap3A_306 = vector.shape_cast %swap3A_305 : vector<1x16xf32> to vector<16xf32>
      %swap3A_307 = vector.shape_cast %add3A_302 : vector<16xf32> to vector<1x16xf32>
      tpu.vector_store %arg11[%swap3A_303, %swap3A_304], %swap3A_307 {strides = array<i32>} : memref<200x64xf32, #tpu.memory_space<vmem>>, vector<1x16xf32>,
      %get3A_308 = arith.index_cast %scan3A_265 : i32 to index
      %get3A_309 = arith.constant 48 : index
      %get3A_310 = tpu.vector_load %arg9[%get3A_308, %get3A_309] {strides = array<i32>} : memref<200x64xf32, #tpu.memory_space<vmem>>, vector<1x16xf32>,
      %get3A_311 = vector.shape_cast %get3A_310 : vector<1x16xf32> to vector<16xf32>
      %get3A_312 = arith.index_cast %scan3A_265 : i32 to index
      %get3A_313 = arith.constant 48 : index
      %get3A_314 = tpu.vector_load %arg7[%get3A_312, %get3A_313] {strides = array<i32>} : memref<200x64xf32, #tpu.memory_space<vmem>>, vector<1x16xf32>,
      %get3A_315 = vector.shape_cast %get3A_314 : vector<1x16xf32> to vector<16xf32>
      %add3A_316 = arith.addf %get3A_311, %get3A_315 : vector<16xf32>
      %swap3A_317 = arith.index_cast %scan3A_265 : i32 to index
      %swap3A_318 = arith.constant 48 : index
      %swap3A_319 = tpu.vector_load %arg11[%swap3A_317, %swap3A_318] {strides = array<i32>} : memref<200x64xf32, #tpu.memory_space<vmem>>, vector<1x16xf32>,
      %swap3A_320 = vector.shape_cast %swap3A_319 : vector<1x16xf32> to vector<16xf32>
      %swap3A_321 = vector.shape_cast %add3A_316 : vector<16xf32> to vector<1x16xf32>
      tpu.vector_store %arg11[%swap3A_317, %swap3A_318], %swap3A_321 {strides = array<i32>} : memref<200x64xf32, #tpu.memory_space<vmem>>, vector<1x16xf32>,
    }
    %scan3A_101 = arith.constant 200 : i32
    %multiple_of3A_102 = arith.constant 600 : i32
    %multiple_of3A_103 = tpu.assume_multiple %multiple_of3A_102, 8 : i32
    %dma_start3A_104 = arith.constant 0 : i32
    %dma_start3A_105 = arith.constant 0 : i32
    %dma_start3A_106 = tpu.memref_slice %arg9[%dma_start3A_104, %dma_start3A_105] : memref<200x64xf32, #tpu.memory_space<vmem>> -> memref<128x64xf32, #tpu.memory_space<vmem>>
    %dma_start3A_107 = tpu.memref_slice %arg6[%multiple_of3A_103] : memref<25600xi32, #tpu.memory_space<vmem>> -> memref<128xi32, #tpu.memory_space<vmem>>
    %dma_start3A_108 = arith.constant 0 : i32
    %dma_start3A_109 = arith.constant 0 : i32
    %dma_start3A_110 = tpu.memref_slice %arg2[%dma_start3A_108, %dma_start3A_109] : memref<1000000x64xf32, #tpu.memory_space<hbm>> -> memref<1000000x64xf32, #tpu.memory_space<hbm>>
    tpu.enqueue_indirect_dma source(%dma_start3A_110 : memref<1000000x64xf32, #tpu.memory_space<hbm>>) target(%dma_start3A_106 : memref<128x64xf32, #tpu.memory_space<vmem>>) offsets(%dma_start3A_107 : memref<128xi32, #tpu.memory_space<vmem>>) semaphore(%arg13 : memref<!tpu.dma_semaphore, #tpu.memory_space<semaphore_mem>>)
    %add3A_111 = arith.constant 128 : i32
    %add3A_112 = arith.addi %multiple_of3A_103, %add3A_111 : i32
    %dma_start3A_113 = arith.constant 128 : i32
    %dma_start3A_114 = arith.constant 0 : i32
    %dma_start3A_115 = tpu.memref_slice %arg9[%dma_start3A_113, %dma_start3A_114] : memref<200x64xf32, #tpu.memory_space<vmem>> -> memref<72x64xf32, #tpu.memory_space<vmem>>
    %dma_start3A_116 = tpu.memref_slice %arg6[%add3A_112] : memref<25600xi32, #tpu.memory_space<vmem>> -> memref<72xi32, #tpu.memory_space<vmem>>
    %dma_start3A_117 = arith.constant 0 : i32
    %dma_start3A_118 = arith.constant 0 : i32
    %dma_start3A_119 = tpu.memref_slice %arg2[%dma_start3A_117, %dma_start3A_118] : memref<1000000x64xf32, #tpu.memory_space<hbm>> -> memref<1000000x64xf32, #tpu.memory_space<hbm>>
    tpu.enqueue_indirect_dma source(%dma_start3A_119 : memref<1000000x64xf32, #tpu.memory_space<hbm>>) target(%dma_start3A_115 : memref<72x64xf32, #tpu.memory_space<vmem>>) offsets(%dma_start3A_116 : memref<72xi32, #tpu.memory_space<vmem>>) semaphore(%arg13 : memref<!tpu.dma_semaphore, #tpu.memory_space<semaphore_mem>>)
    %add3A_120 = arith.constant 200 : i32
    %add3A_121 = arith.addi %multiple_of3A, %add3A_120 : i32
    %dma_start3A_122 = arith.constant 0 : i32
    %dma_start3A_123 = tpu.memref_slice %arg5[%add3A_121, %dma_start3A_122] : memref<819200x64xf32, #tpu.memory_space<hbm>> -> memref<200x64xf32, #tpu.memory_space<hbm>>
    %dma_start3A_124 = arith.constant 0 : i32
    %dma_start3A_125 = tpu.memref_slice %arg5[%add3A_121, %dma_start3A_124] : memref<819200x64xf32, #tpu.memory_space<hbm>> -> memref<200x64xf32, #tpu.memory_space<hbm>>
    tpu.enqueue_dma source(%arg11 : memref<200x64xf32, #tpu.memory_space<vmem>>) target(%dma_start3A_125 : memref<200x64xf32, #tpu.memory_space<hbm>>) target_semaphore(%arg15 : memref<!tpu.dma_semaphore, #tpu.memory_space<semaphore_mem>>)
    %scan3A_126 = arith.constant 2 : i32
    %scan3A_127 = arith.constant 124 : i32
    %scan3A_128 = arith.addi %scan3A_126, %scan3A_127 : i32
    %scan3A_129 = arith.constant 1 : i32
    scf.for %scan3A_209 = %scan3A_126 to %scan3A_128 step %scan3A_129  : i32 {
      %rem3A = arith.constant 2 : i32
      %rem3A_210 = arith.remsi %scan3A_209, %rem3A : i32
      %eq3A = arith.constant 0 : i32
      %eq3A_211 = arith.cmpi eq, %rem3A_210, %eq3A : i32
      %convert_element_type3A = arith.extui %eq3A_211 : i1 to i32
      %cond3A = arith.constant 0 : i32
      %cond3A_212 = arith.cmpi ne, %convert_element_type3A, %cond3A : i32
      scf.if %cond3A_212 {
        %dma_wait3A_218 = arith.constant 0 : i32
        %dma_wait3A_219 = arith.constant 0 : i32
        %dma_wait3A_220 = tpu.memref_slice %arg5[%dma_wait3A_218, %dma_wait3A_219] : memref<819200x64xf32, #tpu.memory_space<hbm>> -> memref<200x64xf32, #tpu.memory_space<hbm>>
        %dma_wait3A_221 = arith.constant 0 : i32
        %dma_wait3A_222 = arith.constant 0 : i32
        %dma_wait3A_223 = tpu.memref_slice %arg5[%dma_wait3A_221, %dma_wait3A_222] : memref<819200x64xf32, #tpu.memory_space<hbm>> -> memref<200x64xf32, #tpu.memory_space<hbm>>
        tpu.wait_dma2 semaphore(%arg14 : memref<!tpu.dma_semaphore, #tpu.memory_space<semaphore_mem>>) src(%arg10 : memref<200x64xf32, #tpu.memory_space<vmem>>) dst(%dma_wait3A_223 : memref<200x64xf32, #tpu.memory_space<hbm>>)
        %dma_wait3A_224 = arith.constant 0 : i32
        %dma_wait3A_225 = arith.constant 0 : i32
        %dma_wait3A_226 = tpu.memref_slice %arg8[%dma_wait3A_224, %dma_wait3A_225] : memref<200x64xf32, #tpu.memory_space<vmem>> -> memref<128x64xf32, #tpu.memory_space<vmem>>
        %dma_wait3A_227 = arith.constant 0 : i32
        %dma_wait3A_228 = tpu.memref_slice %arg6[%dma_wait3A_227] : memref<25600xi32, #tpu.memory_space<vmem>> -> memref<128xi32, #tpu.memory_space<vmem>>
        %dma_wait3A_229 = arith.constant 0 : i32
        %dma_wait3A_230 = arith.constant 0 : i32
        %dma_wait3A_231 = tpu.memref_slice %arg2[%dma_wait3A_229, %dma_wait3A_230] : memref<1000000x64xf32, #tpu.memory_space<hbm>> -> memref<1000000x64xf32, #tpu.memory_space<hbm>>
        tpu.wait_indirect_dma semaphore(%arg12 : memref<!tpu.dma_semaphore, #tpu.memory_space<semaphore_mem>>) src(%dma_wait3A_231 : memref<1000000x64xf32, #tpu.memory_space<hbm>>) dst(%dma_wait3A_226 : memref<128x64xf32, #tpu.memory_space<vmem>>)
        %dma_wait3A_232 = arith.constant 128 : i32
        %dma_wait3A_233 = arith.constant 0 : i32
        %dma_wait3A_234 = tpu.memref_slice %arg8[%dma_wait3A_232, %dma_wait3A_233] : memref<200x64xf32, #tpu.memory_space<vmem>> -> memref<72x64xf32, #tpu.memory_space<vmem>>
        %dma_wait3A_235 = arith.constant 0 : i32
        %dma_wait3A_236 = tpu.memref_slice %arg6[%dma_wait3A_235] : memref<25600xi32, #tpu.memory_space<vmem>> -> memref<72xi32, #tpu.memory_space<vmem>>
        %dma_wait3A_237 = arith.constant 0 : i32
        %dma_wait3A_238 = arith.constant 0 : i32
        %dma_wait3A_239 = tpu.memref_slice %arg2[%dma_wait3A_237, %dma_wait3A_238] : memref<1000000x64xf32, #tpu.memory_space<hbm>> -> memref<1000000x64xf32, #tpu.memory_space<hbm>>
        tpu.wait_indirect_dma semaphore(%arg12 : memref<!tpu.dma_semaphore, #tpu.memory_space<semaphore_mem>>) src(%dma_wait3A_239 : memref<1000000x64xf32, #tpu.memory_space<hbm>>) dst(%dma_wait3A_234 : memref<72x64xf32, #tpu.memory_space<vmem>>)
        %scan3A_240 = arith.constant 0 : i32
        %scan3A_241 = arith.constant 200 : i32
        %scan3A_242 = arith.addi %scan3A_240, %scan3A_241 : i32
        %scan3A_243 = arith.constant 2 : i32
        scf.for %scan3A_273 = %scan3A_240 to %scan3A_242 step %scan3A_243  : i32 {
          %get3A = arith.index_cast %scan3A_273 : i32 to index
          %get3A_274 = arith.constant 0 : index
          %get3A_275 = tpu.vector_load %arg8[%get3A, %get3A_274] {strides = array<i32>} : memref<200x64xf32, #tpu.memory_space<vmem>>, vector<1x16xf32>,
          %get3A_276 = vector.shape_cast %get3A_275 : vector<1x16xf32> to vector<16xf32>
          %get3A_277 = arith.index_cast %scan3A_273 : i32 to index
          %get3A_278 = arith.constant 0 : index
          %get3A_279 = tpu.vector_load %arg7[%get3A_277, %get3A_278] {strides = array<i32>} : memref<200x64xf32, #tpu.memory_space<vmem>>, vector<1x16xf32>,
          %get3A_280 = vector.shape_cast %get3A_279 : vector<1x16xf32> to vector<16xf32>
          %add3A_281 = arith.addf %get3A_276, %get3A_280 : vector<16xf32>
          %swap3A = arith.index_cast %scan3A_273 : i32 to index
          %swap3A_282 = arith.constant 0 : index
          %swap3A_283 = tpu.vector_load %arg10[%swap3A, %swap3A_282] {strides = array<i32>} : memref<200x64xf32, #tpu.memory_space<vmem>>, vector<1x16xf32>,
          %swap3A_284 = vector.shape_cast %swap3A_283 : vector<1x16xf32> to vector<16xf32>
          %swap3A_285 = vector.shape_cast %add3A_281 : vector<16xf32> to vector<1x16xf32>
          tpu.vector_store %arg10[%swap3A, %swap3A_282], %swap3A_285 {strides = array<i32>} : memref<200x64xf32, #tpu.memory_space<vmem>>, vector<1x16xf32>,
          %get3A_286 = arith.index_cast %scan3A_273 : i32 to index
          %get3A_287 = arith.constant 16 : index
          %get3A_288 = tpu.vector_load %arg8[%get3A_286, %get3A_287] {strides = array<i32>} : memref<200x64xf32, #tpu.memory_space<vmem>>, vector<1x16xf32>,
          %get3A_289 = vector.shape_cast %get3A_288 : vector<1x16xf32> to vector<16xf32>
          %get3A_290 = arith.index_cast %scan3A_273 : i32 to index
          %get3A_291 = arith.constant 16 : index
          %get3A_292 = tpu.vector_load %arg7[%get3A_290, %get3A_291] {strides = array<i32>} : memref<200x64xf32, #tpu.memory_space<vmem>>, vector<1x16xf32>,
          %get3A_293 = vector.shape_cast %get3A_292 : vector<1x16xf32> to vector<16xf32>
          %add3A_294 = arith.addf %get3A_289, %get3A_293 : vector<16xf32>
          %swap3A_295 = arith.index_cast %scan3A_273 : i32 to index
          %swap3A_296 = arith.constant 16 : index
          %swap3A_297 = tpu.vector_load %arg10[%swap3A_295, %swap3A_296] {strides = array<i32>} : memref<200x64xf32, #tpu.memory_space<vmem>>, vector<1x16xf32>,
          %swap3A_298 = vector.shape_cast %swap3A_297 : vector<1x16xf32> to vector<16xf32>
          %swap3A_299 = vector.shape_cast %add3A_294 : vector<16xf32> to vector<1x16xf32>
          tpu.vector_store %arg10[%swap3A_295, %swap3A_296], %swap3A_299 {strides = array<i32>} : memref<200x64xf32, #tpu.memory_space<vmem>>, vector<1x16xf32>,
          %get3A_300 = arith.index_cast %scan3A_273 : i32 to index
          %get3A_301 = arith.constant 32 : index
          %get3A_302 = tpu.vector_load %arg8[%get3A_300, %get3A_301] {strides = array<i32>} : memref<200x64xf32, #tpu.memory_space<vmem>>, vector<1x16xf32>,
          %get3A_303 = vector.shape_cast %get3A_302 : vector<1x16xf32> to vector<16xf32>
          %get3A_304 = arith.index_cast %scan3A_273 : i32 to index
          %get3A_305 = arith.constant 32 : index
          %get3A_306 = tpu.vector_load %arg7[%get3A_304, %get3A_305] {strides = array<i32>} : memref<200x64xf32, #tpu.memory_space<vmem>>, vector<1x16xf32>,
          %get3A_307 = vector.shape_cast %get3A_306 : vector<1x16xf32> to vector<16xf32>
          %add3A_308 = arith.addf %get3A_303, %get3A_307 : vector<16xf32>
          %swap3A_309 = arith.index_cast %scan3A_273 : i32 to index
          %swap3A_310 = arith.constant 32 : index
          %swap3A_311 = tpu.vector_load %arg10[%swap3A_309, %swap3A_310] {strides = array<i32>} : memref<200x64xf32, #tpu.memory_space<vmem>>, vector<1x16xf32>,
          %swap3A_312 = vector.shape_cast %swap3A_311 : vector<1x16xf32> to vector<16xf32>
          %swap3A_313 = vector.shape_cast %add3A_308 : vector<16xf32> to vector<1x16xf32>
          tpu.vector_store %arg10[%swap3A_309, %swap3A_310], %swap3A_313 {strides = array<i32>} : memref<200x64xf32, #tpu.memory_space<vmem>>, vector<1x16xf32>,
          %get3A_314 = arith.index_cast %scan3A_273 : i32 to index
          %get3A_315 = arith.constant 48 : index
          %get3A_316 = tpu.vector_load %arg8[%get3A_314, %get3A_315] {strides = array<i32>} : memref<200x64xf32, #tpu.memory_space<vmem>>, vector<1x16xf32>,
          %get3A_317 = vector.shape_cast %get3A_316 : vector<1x16xf32> to vector<16xf32>
          %get3A_318 = arith.index_cast %scan3A_273 : i32 to index
          %get3A_319 = arith.constant 48 : index
          %get3A_320 = tpu.vector_load %arg7[%get3A_318, %get3A_319] {strides = array<i32>} : memref<200x64xf32, #tpu.memory_space<vmem>>, vector<1x16xf32>,
          %get3A_321 = vector.shape_cast %get3A_320 : vector<1x16xf32> to vector<16xf32>
          %add3A_322 = arith.addf %get3A_317, %get3A_321 : vector<16xf32>
          %swap3A_323 = arith.index_cast %scan3A_273 : i32 to index
          %swap3A_324 = arith.constant 48 : index
          %swap3A_325 = tpu.vector_load %arg10[%swap3A_323, %swap3A_324] {strides = array<i32>} : memref<200x64xf32, #tpu.memory_space<vmem>>, vector<1x16xf32>,
          %swap3A_326 = vector.shape_cast %swap3A_325 : vector<1x16xf32> to vector<16xf32>
          %swap3A_327 = vector.shape_cast %add3A_322 : vector<16xf32> to vector<1x16xf32>
          tpu.vector_store %arg10[%swap3A_323, %swap3A_324], %swap3A_327 {strides = array<i32>} : memref<200x64xf32, #tpu.memory_space<vmem>>, vector<1x16xf32>,
          %scan3A_328 = arith.constant 1 : i32
          %scan3A_329 = arith.addi %scan3A_273, %scan3A_328 : i32
          %get3A_330 = arith.index_cast %scan3A_329 : i32 to index
          %get3A_331 = arith.constant 0 : index
          %get3A_332 = tpu.vector_load %arg8[%get3A_330, %get3A_331] {strides = array<i32>} : memref<200x64xf32, #tpu.memory_space<vmem>>, vector<1x16xf32>,
          %get3A_333 = vector.shape_cast %get3A_332 : vector<1x16xf32> to vector<16xf32>
          %get3A_334 = arith.index_cast %scan3A_329 : i32 to index
          %get3A_335 = arith.constant 0 : index
          %get3A_336 = tpu.vector_load %arg7[%get3A_334, %get3A_335] {strides = array<i32>} : memref<200x64xf32, #tpu.memory_space<vmem>>, vector<1x16xf32>,
          %get3A_337 = vector.shape_cast %get3A_336 : vector<1x16xf32> to vector<16xf32>
          %add3A_338 = arith.addf %get3A_333, %get3A_337 : vector<16xf32>
          %swap3A_339 = arith.index_cast %scan3A_329 : i32 to index
          %swap3A_340 = arith.constant 0 : index
          %swap3A_341 = tpu.vector_load %arg10[%swap3A_339, %swap3A_340] {strides = array<i32>} : memref<200x64xf32, #tpu.memory_space<vmem>>, vector<1x16xf32>,
          %swap3A_342 = vector.shape_cast %swap3A_341 : vector<1x16xf32> to vector<16xf32>
          %swap3A_343 = vector.shape_cast %add3A_338 : vector<16xf32> to vector<1x16xf32>
          tpu.vector_store %arg10[%swap3A_339, %swap3A_340], %swap3A_343 {strides = array<i32>} : memref<200x64xf32, #tpu.memory_space<vmem>>, vector<1x16xf32>,
          %get3A_344 = arith.index_cast %scan3A_329 : i32 to index
          %get3A_345 = arith.constant 16 : index
          %get3A_346 = tpu.vector_load %arg8[%get3A_344, %get3A_345] {strides = array<i32>} : memref<200x64xf32, #tpu.memory_space<vmem>>, vector<1x16xf32>,
          %get3A_347 = vector.shape_cast %get3A_346 : vector<1x16xf32> to vector<16xf32>
          %get3A_348 = arith.index_cast %scan3A_329 : i32 to index
          %get3A_349 = arith.constant 16 : index
          %get3A_350 = tpu.vector_load %arg7[%get3A_348, %get3A_349] {strides = array<i32>} : memref<200x64xf32, #tpu.memory_space<vmem>>, vector<1x16xf32>,
          %get3A_351 = vector.shape_cast %get3A_350 : vector<1x16xf32> to vector<16xf32>
          %add3A_352 = arith.addf %get3A_347, %get3A_351 : vector<16xf32>
          %swap3A_353 = arith.index_cast %scan3A_329 : i32 to index
          %swap3A_354 = arith.constant 16 : index
          %swap3A_355 = tpu.vector_load %arg10[%swap3A_353, %swap3A_354] {strides = array<i32>} : memref<200x64xf32, #tpu.memory_space<vmem>>, vector<1x16xf32>,
          %swap3A_356 = vector.shape_cast %swap3A_355 : vector<1x16xf32> to vector<16xf32>
          %swap3A_357 = vector.shape_cast %add3A_352 : vector<16xf32> to vector<1x16xf32>
          tpu.vector_store %arg10[%swap3A_353, %swap3A_354], %swap3A_357 {strides = array<i32>} : memref<200x64xf32, #tpu.memory_space<vmem>>, vector<1x16xf32>,
          %get3A_358 = arith.index_cast %scan3A_329 : i32 to index
          %get3A_359 = arith.constant 32 : index
          %get3A_360 = tpu.vector_load %arg8[%get3A_358, %get3A_359] {strides = array<i32>} : memref<200x64xf32, #tpu.memory_space<vmem>>, vector<1x16xf32>,
          %get3A_361 = vector.shape_cast %get3A_360 : vector<1x16xf32> to vector<16xf32>
          %get3A_362 = arith.index_cast %scan3A_329 : i32 to index
          %get3A_363 = arith.constant 32 : index
          %get3A_364 = tpu.vector_load %arg7[%get3A_362, %get3A_363] {strides = array<i32>} : memref<200x64xf32, #tpu.memory_space<vmem>>, vector<1x16xf32>,
          %get3A_365 = vector.shape_cast %get3A_364 : vector<1x16xf32> to vector<16xf32>
          %add3A_366 = arith.addf %get3A_361, %get3A_365 : vector<16xf32>
          %swap3A_367 = arith.index_cast %scan3A_329 : i32 to index
          %swap3A_368 = arith.constant 32 : index
          %swap3A_369 = tpu.vector_load %arg10[%swap3A_367, %swap3A_368] {strides = array<i32>} : memref<200x64xf32, #tpu.memory_space<vmem>>, vector<1x16xf32>,
          %swap3A_370 = vector.shape_cast %swap3A_369 : vector<1x16xf32> to vector<16xf32>
          %swap3A_371 = vector.shape_cast %add3A_366 : vector<16xf32> to vector<1x16xf32>
          tpu.vector_store %arg10[%swap3A_367, %swap3A_368], %swap3A_371 {strides = array<i32>} : memref<200x64xf32, #tpu.memory_space<vmem>>, vector<1x16xf32>,
          %get3A_372 = arith.index_cast %scan3A_329 : i32 to index
          %get3A_373 = arith.constant 48 : index
          %get3A_374 = tpu.vector_load %arg8[%get3A_372, %get3A_373] {strides = array<i32>} : memref<200x64xf32, #tpu.memory_space<vmem>>, vector<1x16xf32>,
          %get3A_375 = vector.shape_cast %get3A_374 : vector<1x16xf32> to vector<16xf32>
          %get3A_376 = arith.index_cast %scan3A_329 : i32 to index
          %get3A_377 = arith.constant 48 : index
          %get3A_378 = tpu.vector_load %arg7[%get3A_376, %get3A_377] {strides = array<i32>} : memref<200x64xf32, #tpu.memory_space<vmem>>, vector<1x16xf32>,
          %get3A_379 = vector.shape_cast %get3A_378 : vector<1x16xf32> to vector<16xf32>
          %add3A_380 = arith.addf %get3A_375, %get3A_379 : vector<16xf32>
          %swap3A_381 = arith.index_cast %scan3A_329 : i32 to index
          %swap3A_382 = arith.constant 48 : index
          %swap3A_383 = tpu.vector_load %arg10[%swap3A_381, %swap3A_382] {strides = array<i32>} : memref<200x64xf32, #tpu.memory_space<vmem>>, vector<1x16xf32>,
          %swap3A_384 = vector.shape_cast %swap3A_383 : vector<1x16xf32> to vector<16xf32>
          %swap3A_385 = vector.shape_cast %add3A_380 : vector<16xf32> to vector<1x16xf32>
          tpu.vector_store %arg10[%swap3A_381, %swap3A_382], %swap3A_385 {strides = array<i32>} : memref<200x64xf32, #tpu.memory_space<vmem>>, vector<1x16xf32>,
        }
        %scan3A_244 = arith.constant 200 : i32
        %add3A_245 = arith.constant 2 : i32
        %add3A_246 = arith.addi %scan3A_209, %add3A_245 : i32
        %mul3A_247 = arith.constant 200 : i32
        %mul3A_248 = arith.muli %add3A_246, %mul3A_247 : i32
        %multiple_of3A_249 = tpu.assume_multiple %mul3A_248, 8 : i32
        %dma_start3A_250 = arith.constant 0 : i32
        %dma_start3A_251 = arith.constant 0 : i32
        %dma_start3A_252 = tpu.memref_slice %arg8[%dma_start3A_250, %dma_start3A_251] : memref<200x64xf32, #tpu.memory_space<vmem>> -> memref<128x64xf32, #tpu.memory_space<vmem>>
        %dma_start3A_253 = tpu.memref_slice %arg6[%multiple_of3A_249] : memref<25600xi32, #tpu.memory_space<vmem>> -> memref<128xi32, #tpu.memory_space<vmem>>
        %dma_start3A_254 = arith.constant 0 : i32
        %dma_start3A_255 = arith.constant 0 : i32
        %dma_start3A_256 = tpu.memref_slice %arg2[%dma_start3A_254, %dma_start3A_255] : memref<1000000x64xf32, #tpu.memory_space<hbm>> -> memref<1000000x64xf32, #tpu.memory_space<hbm>>
        tpu.enqueue_indirect_dma source(%dma_start3A_256 : memref<1000000x64xf32, #tpu.memory_space<hbm>>) target(%dma_start3A_252 : memref<128x64xf32, #tpu.memory_space<vmem>>) offsets(%dma_start3A_253 : memref<128xi32, #tpu.memory_space<vmem>>) semaphore(%arg12 : memref<!tpu.dma_semaphore, #tpu.memory_space<semaphore_mem>>)
        %add3A_257 = arith.constant 128 : i32
        %add3A_258 = arith.addi %multiple_of3A_249, %add3A_257 : i32
        %dma_start3A_259 = arith.constant 128 : i32
        %dma_start3A_260 = arith.constant 0 : i32
        %dma_start3A_261 = tpu.memref_slice %arg8[%dma_start3A_259, %dma_start3A_260] : memref<200x64xf32, #tpu.memory_space<vmem>> -> memref<72x64xf32, #tpu.memory_space<vmem>>
        %dma_start3A_262 = tpu.memref_slice %arg6[%add3A_258] : memref<25600xi32, #tpu.memory_space<vmem>> -> memref<72xi32, #tpu.memory_space<vmem>>
        %dma_start3A_263 = arith.constant 0 : i32
        %dma_start3A_264 = arith.constant 0 : i32
        %dma_start3A_265 = tpu.memref_slice %arg2[%dma_start3A_263, %dma_start3A_264] : memref<1000000x64xf32, #tpu.memory_space<hbm>> -> memref<1000000x64xf32, #tpu.memory_space<hbm>>
        tpu.enqueue_indirect_dma source(%dma_start3A_265 : memref<1000000x64xf32, #tpu.memory_space<hbm>>) target(%dma_start3A_261 : memref<72x64xf32, #tpu.memory_space<vmem>>) offsets(%dma_start3A_262 : memref<72xi32, #tpu.memory_space<vmem>>) semaphore(%arg12 : memref<!tpu.dma_semaphore, #tpu.memory_space<semaphore_mem>>)
        %mul3A_266 = arith.constant 200 : i32
        %mul3A_267 = arith.muli %scan3A_209, %mul3A_266 : i32
        %add3A_268 = arith.addi %multiple_of3A, %mul3A_267 : i32
        %dma_start3A_269 = arith.constant 0 : i32
        %dma_start3A_270 = tpu.memref_slice %arg5[%add3A_268, %dma_start3A_269] : memref<819200x64xf32, #tpu.memory_space<hbm>> -> memref<200x64xf32, #tpu.memory_space<hbm>>
        %dma_start3A_271 = arith.constant 0 : i32
        %dma_start3A_272 = tpu.memref_slice %arg5[%add3A_268, %dma_start3A_271] : memref<819200x64xf32, #tpu.memory_space<hbm>> -> memref<200x64xf32, #tpu.memory_space<hbm>>
        tpu.enqueue_dma source(%arg10 : memref<200x64xf32, #tpu.memory_space<vmem>>) target(%dma_start3A_272 : memref<200x64xf32, #tpu.memory_space<hbm>>) target_semaphore(%arg14 : memref<!tpu.dma_semaphore, #tpu.memory_space<semaphore_mem>>)
      } else {
      }
      %eq3A_213 = arith.constant 1 : i32
      %eq3A_214 = arith.cmpi eq, %rem3A_210, %eq3A_213 : i32
      %convert_element_type3A_215 = arith.extui %eq3A_214 : i1 to i32
      %cond3A_216 = arith.constant 0 : i32
      %cond3A_217 = arith.cmpi ne, %convert_element_type3A_215, %cond3A_216 : i32
      scf.if %cond3A_217 {
        %dma_wait3A_218 = arith.constant 0 : i32
        %dma_wait3A_219 = arith.constant 0 : i32
        %dma_wait3A_220 = tpu.memref_slice %arg5[%dma_wait3A_218, %dma_wait3A_219] : memref<819200x64xf32, #tpu.memory_space<hbm>> -> memref<200x64xf32, #tpu.memory_space<hbm>>
        %dma_wait3A_221 = arith.constant 0 : i32
        %dma_wait3A_222 = arith.constant 0 : i32
        %dma_wait3A_223 = tpu.memref_slice %arg5[%dma_wait3A_221, %dma_wait3A_222] : memref<819200x64xf32, #tpu.memory_space<hbm>> -> memref<200x64xf32, #tpu.memory_space<hbm>>
        tpu.wait_dma2 semaphore(%arg15 : memref<!tpu.dma_semaphore, #tpu.memory_space<semaphore_mem>>) src(%arg11 : memref<200x64xf32, #tpu.memory_space<vmem>>) dst(%dma_wait3A_223 : memref<200x64xf32, #tpu.memory_space<hbm>>)
        %dma_wait3A_224 = arith.constant 0 : i32
        %dma_wait3A_225 = arith.constant 0 : i32
        %dma_wait3A_226 = tpu.memref_slice %arg9[%dma_wait3A_224, %dma_wait3A_225] : memref<200x64xf32, #tpu.memory_space<vmem>> -> memref<128x64xf32, #tpu.memory_space<vmem>>
        %dma_wait3A_227 = arith.constant 0 : i32
        %dma_wait3A_228 = tpu.memref_slice %arg6[%dma_wait3A_227] : memref<25600xi32, #tpu.memory_space<vmem>> -> memref<128xi32, #tpu.memory_space<vmem>>
        %dma_wait3A_229 = arith.constant 0 : i32
        %dma_wait3A_230 = arith.constant 0 : i32
        %dma_wait3A_231 = tpu.memref_slice %arg2[%dma_wait3A_229, %dma_wait3A_230] : memref<1000000x64xf32, #tpu.memory_space<hbm>> -> memref<1000000x64xf32, #tpu.memory_space<hbm>>
        tpu.wait_indirect_dma semaphore(%arg13 : memref<!tpu.dma_semaphore, #tpu.memory_space<semaphore_mem>>) src(%dma_wait3A_231 : memref<1000000x64xf32, #tpu.memory_space<hbm>>) dst(%dma_wait3A_226 : memref<128x64xf32, #tpu.memory_space<vmem>>)
        %dma_wait3A_232 = arith.constant 128 : i32
        %dma_wait3A_233 = arith.constant 0 : i32
        %dma_wait3A_234 = tpu.memref_slice %arg9[%dma_wait3A_232, %dma_wait3A_233] : memref<200x64xf32, #tpu.memory_space<vmem>> -> memref<72x64xf32, #tpu.memory_space<vmem>>
        %dma_wait3A_235 = arith.constant 0 : i32
        %dma_wait3A_236 = tpu.memref_slice %arg6[%dma_wait3A_235] : memref<25600xi32, #tpu.memory_space<vmem>> -> memref<72xi32, #tpu.memory_space<vmem>>
        %dma_wait3A_237 = arith.constant 0 : i32
        %dma_wait3A_238 = arith.constant 0 : i32
        %dma_wait3A_239 = tpu.memref_slice %arg2[%dma_wait3A_237, %dma_wait3A_238] : memref<1000000x64xf32, #tpu.memory_space<hbm>> -> memref<1000000x64xf32, #tpu.memory_space<hbm>>
        tpu.wait_indirect_dma semaphore(%arg13 : memref<!tpu.dma_semaphore, #tpu.memory_space<semaphore_mem>>) src(%dma_wait3A_239 : memref<1000000x64xf32, #tpu.memory_space<hbm>>) dst(%dma_wait3A_234 : memref<72x64xf32, #tpu.memory_space<vmem>>)
        %scan3A_240 = arith.constant 0 : i32
        %scan3A_241 = arith.constant 200 : i32
        %scan3A_242 = arith.addi %scan3A_240, %scan3A_241 : i32
        %scan3A_243 = arith.constant 2 : i32
        scf.for %scan3A_273 = %scan3A_240 to %scan3A_242 step %scan3A_243  : i32 {
          %get3A = arith.index_cast %scan3A_273 : i32 to index
          %get3A_274 = arith.constant 0 : index
          %get3A_275 = tpu.vector_load %arg9[%get3A, %get3A_274] {strides = array<i32>} : memref<200x64xf32, #tpu.memory_space<vmem>>, vector<1x16xf32>,
          %get3A_276 = vector.shape_cast %get3A_275 : vector<1x16xf32> to vector<16xf32>
          %get3A_277 = arith.index_cast %scan3A_273 : i32 to index
          %get3A_278 = arith.constant 0 : index
          %get3A_279 = tpu.vector_load %arg7[%get3A_277, %get3A_278] {strides = array<i32>} : memref<200x64xf32, #tpu.memory_space<vmem>>, vector<1x16xf32>,
          %get3A_280 = vector.shape_cast %get3A_279 : vector<1x16xf32> to vector<16xf32>
          %add3A_281 = arith.addf %get3A_276, %get3A_280 : vector<16xf32>
          %swap3A = arith.index_cast %scan3A_273 : i32 to index
          %swap3A_282 = arith.constant 0 : index
          %swap3A_283 = tpu.vector_load %arg11[%swap3A, %swap3A_282] {strides = array<i32>} : memref<200x64xf32, #tpu.memory_space<vmem>>, vector<1x16xf32>,
          %swap3A_284 = vector.shape_cast %swap3A_283 : vector<1x16xf32> to vector<16xf32>
          %swap3A_285 = vector.shape_cast %add3A_281 : vector<16xf32> to vector<1x16xf32>
          tpu.vector_store %arg11[%swap3A, %swap3A_282], %swap3A_285 {strides = array<i32>} : memref<200x64xf32, #tpu.memory_space<vmem>>, vector<1x16xf32>,
          %get3A_286 = arith.index_cast %scan3A_273 : i32 to index
          %get3A_287 = arith.constant 16 : index
          %get3A_288 = tpu.vector_load %arg9[%get3A_286, %get3A_287] {strides = array<i32>} : memref<200x64xf32, #tpu.memory_space<vmem>>, vector<1x16xf32>,
          %get3A_289 = vector.shape_cast %get3A_288 : vector<1x16xf32> to vector<16xf32>
          %get3A_290 = arith.index_cast %scan3A_273 : i32 to index
          %get3A_291 = arith.constant 16 : index
          %get3A_292 = tpu.vector_load %arg7[%get3A_290, %get3A_291] {strides = array<i32>} : memref<200x64xf32, #tpu.memory_space<vmem>>, vector<1x16xf32>,
          %get3A_293 = vector.shape_cast %get3A_292 : vector<1x16xf32> to vector<16xf32>
          %add3A_294 = arith.addf %get3A_289, %get3A_293 : vector<16xf32>
          %swap3A_295 = arith.index_cast %scan3A_273 : i32 to index
          %swap3A_296 = arith.constant 16 : index
          %swap3A_297 = tpu.vector_load %arg11[%swap3A_295, %swap3A_296] {strides = array<i32>} : memref<200x64xf32, #tpu.memory_space<vmem>>, vector<1x16xf32>,
          %swap3A_298 = vector.shape_cast %swap3A_297 : vector<1x16xf32> to vector<16xf32>
          %swap3A_299 = vector.shape_cast %add3A_294 : vector<16xf32> to vector<1x16xf32>
          tpu.vector_store %arg11[%swap3A_295, %swap3A_296], %swap3A_299 {strides = array<i32>} : memref<200x64xf32, #tpu.memory_space<vmem>>, vector<1x16xf32>,
          %get3A_300 = arith.index_cast %scan3A_273 : i32 to index
          %get3A_301 = arith.constant 32 : index
          %get3A_302 = tpu.vector_load %arg9[%get3A_300, %get3A_301] {strides = array<i32>} : memref<200x64xf32, #tpu.memory_space<vmem>>, vector<1x16xf32>,
          %get3A_303 = vector.shape_cast %get3A_302 : vector<1x16xf32> to vector<16xf32>
          %get3A_304 = arith.index_cast %scan3A_273 : i32 to index
          %get3A_305 = arith.constant 32 : index
          %get3A_306 = tpu.vector_load %arg7[%get3A_304, %get3A_305] {strides = array<i32>} : memref<200x64xf32, #tpu.memory_space<vmem>>, vector<1x16xf32>,
          %get3A_307 = vector.shape_cast %get3A_306 : vector<1x16xf32> to vector<16xf32>
          %add3A_308 = arith.addf %get3A_303, %get3A_307 : vector<16xf32>
          %swap3A_309 = arith.index_cast %scan3A_273 : i32 to index
          %swap3A_310 = arith.constant 32 : index
          %swap3A_311 = tpu.vector_load %arg11[%swap3A_309, %swap3A_310] {strides = array<i32>} : memref<200x64xf32, #tpu.memory_space<vmem>>, vector<1x16xf32>,
          %swap3A_312 = vector.shape_cast %swap3A_311 : vector<1x16xf32> to vector<16xf32>
          %swap3A_313 = vector.shape_cast %add3A_308 : vector<16xf32> to vector<1x16xf32>
          tpu.vector_store %arg11[%swap3A_309, %swap3A_310], %swap3A_313 {strides = array<i32>} : memref<200x64xf32, #tpu.memory_space<vmem>>, vector<1x16xf32>,
          %get3A_314 = arith.index_cast %scan3A_273 : i32 to index
          %get3A_315 = arith.constant 48 : index
          %get3A_316 = tpu.vector_load %arg9[%get3A_314, %get3A_315] {strides = array<i32>} : memref<200x64xf32, #tpu.memory_space<vmem>>, vector<1x16xf32>,
          %get3A_317 = vector.shape_cast %get3A_316 : vector<1x16xf32> to vector<16xf32>
          %get3A_318 = arith.index_cast %scan3A_273 : i32 to index
          %get3A_319 = arith.constant 48 : index
          %get3A_320 = tpu.vector_load %arg7[%get3A_318, %get3A_319] {strides = array<i32>} : memref<200x64xf32, #tpu.memory_space<vmem>>, vector<1x16xf32>,
          %get3A_321 = vector.shape_cast %get3A_320 : vector<1x16xf32> to vector<16xf32>
          %add3A_322 = arith.addf %get3A_317, %get3A_321 : vector<16xf32>
          %swap3A_323 = arith.index_cast %scan3A_273 : i32 to index
          %swap3A_324 = arith.constant 48 : index
          %swap3A_325 = tpu.vector_load %arg11[%swap3A_323, %swap3A_324] {strides = array<i32>} : memref<200x64xf32, #tpu.memory_space<vmem>>, vector<1x16xf32>,
          %swap3A_326 = vector.shape_cast %swap3A_325 : vector<1x16xf32> to vector<16xf32>
          %swap3A_327 = vector.shape_cast %add3A_322 : vector<16xf32> to vector<1x16xf32>
          tpu.vector_store %arg11[%swap3A_323, %swap3A_324], %swap3A_327 {strides = array<i32>} : memref<200x64xf32, #tpu.memory_space<vmem>>, vector<1x16xf32>,
          %scan3A_328 = arith.constant 1 : i32
          %scan3A_329 = arith.addi %scan3A_273, %scan3A_328 : i32
          %get3A_330 = arith.index_cast %scan3A_329 : i32 to index
          %get3A_331 = arith.constant 0 : index
          %get3A_332 = tpu.vector_load %arg9[%get3A_330, %get3A_331] {strides = array<i32>} : memref<200x64xf32, #tpu.memory_space<vmem>>, vector<1x16xf32>,
          %get3A_333 = vector.shape_cast %get3A_332 : vector<1x16xf32> to vector<16xf32>
          %get3A_334 = arith.index_cast %scan3A_329 : i32 to index
          %get3A_335 = arith.constant 0 : index
          %get3A_336 = tpu.vector_load %arg7[%get3A_334, %get3A_335] {strides = array<i32>} : memref<200x64xf32, #tpu.memory_space<vmem>>, vector<1x16xf32>,
          %get3A_337 = vector.shape_cast %get3A_336 : vector<1x16xf32> to vector<16xf32>
          %add3A_338 = arith.addf %get3A_333, %get3A_337 : vector<16xf32>
          %swap3A_339 = arith.index_cast %scan3A_329 : i32 to index
          %swap3A_340 = arith.constant 0 : index
          %swap3A_341 = tpu.vector_load %arg11[%swap3A_339, %swap3A_340] {strides = array<i32>} : memref<200x64xf32, #tpu.memory_space<vmem>>, vector<1x16xf32>,
          %swap3A_342 = vector.shape_cast %swap3A_341 : vector<1x16xf32> to vector<16xf32>
          %swap3A_343 = vector.shape_cast %add3A_338 : vector<16xf32> to vector<1x16xf32>
          tpu.vector_store %arg11[%swap3A_339, %swap3A_340], %swap3A_343 {strides = array<i32>} : memref<200x64xf32, #tpu.memory_space<vmem>>, vector<1x16xf32>,
          %get3A_344 = arith.index_cast %scan3A_329 : i32 to index
          %get3A_345 = arith.constant 16 : index
          %get3A_346 = tpu.vector_load %arg9[%get3A_344, %get3A_345] {strides = array<i32>} : memref<200x64xf32, #tpu.memory_space<vmem>>, vector<1x16xf32>,
          %get3A_347 = vector.shape_cast %get3A_346 : vector<1x16xf32> to vector<16xf32>
          %get3A_348 = arith.index_cast %scan3A_329 : i32 to index
          %get3A_349 = arith.constant 16 : index
          %get3A_350 = tpu.vector_load %arg7[%get3A_348, %get3A_349] {strides = array<i32>} : memref<200x64xf32, #tpu.memory_space<vmem>>, vector<1x16xf32>,
          %get3A_351 = vector.shape_cast %get3A_350 : vector<1x16xf32> to vector<16xf32>
          %add3A_352 = arith.addf %get3A_347, %get3A_351 : vector<16xf32>
          %swap3A_353 = arith.index_cast %scan3A_329 : i32 to index
          %swap3A_354 = arith.constant 16 : index
          %swap3A_355 = tpu.vector_load %arg11[%swap3A_353, %swap3A_354] {strides = array<i32>} : memref<200x64xf32, #tpu.memory_space<vmem>>, vector<1x16xf32>,
          %swap3A_356 = vector.shape_cast %swap3A_355 : vector<1x16xf32> to vector<16xf32>
          %swap3A_357 = vector.shape_cast %add3A_352 : vector<16xf32> to vector<1x16xf32>
          tpu.vector_store %arg11[%swap3A_353, %swap3A_354], %swap3A_357 {strides = array<i32>} : memref<200x64xf32, #tpu.memory_space<vmem>>, vector<1x16xf32>,
          %get3A_358 = arith.index_cast %scan3A_329 : i32 to index
          %get3A_359 = arith.constant 32 : index
          %get3A_360 = tpu.vector_load %arg9[%get3A_358, %get3A_359] {strides = array<i32>} : memref<200x64xf32, #tpu.memory_space<vmem>>, vector<1x16xf32>,
          %get3A_361 = vector.shape_cast %get3A_360 : vector<1x16xf32> to vector<16xf32>
          %get3A_362 = arith.index_cast %scan3A_329 : i32 to index
          %get3A_363 = arith.constant 32 : index
          %get3A_364 = tpu.vector_load %arg7[%get3A_362, %get3A_363] {strides = array<i32>} : memref<200x64xf32, #tpu.memory_space<vmem>>, vector<1x16xf32>,
          %get3A_365 = vector.shape_cast %get3A_364 : vector<1x16xf32> to vector<16xf32>
          %add3A_366 = arith.addf %get3A_361, %get3A_365 : vector<16xf32>
          %swap3A_367 = arith.index_cast %scan3A_329 : i32 to index
          %swap3A_368 = arith.constant 32 : index
          %swap3A_369 = tpu.vector_load %arg11[%swap3A_367, %swap3A_368] {strides = array<i32>} : memref<200x64xf32, #tpu.memory_space<vmem>>, vector<1x16xf32>,
          %swap3A_370 = vector.shape_cast %swap3A_369 : vector<1x16xf32> to vector<16xf32>
          %swap3A_371 = vector.shape_cast %add3A_366 : vector<16xf32> to vector<1x16xf32>
          tpu.vector_store %arg11[%swap3A_367, %swap3A_368], %swap3A_371 {strides = array<i32>} : memref<200x64xf32, #tpu.memory_space<vmem>>, vector<1x16xf32>,
          %get3A_372 = arith.index_cast %scan3A_329 : i32 to index
          %get3A_373 = arith.constant 48 : index
          %get3A_374 = tpu.vector_load %arg9[%get3A_372, %get3A_373] {strides = array<i32>} : memref<200x64xf32, #tpu.memory_space<vmem>>, vector<1x16xf32>,
          %get3A_375 = vector.shape_cast %get3A_374 : vector<1x16xf32> to vector<16xf32>
          %get3A_376 = arith.index_cast %scan3A_329 : i32 to index
          %get3A_377 = arith.constant 48 : index
          %get3A_378 = tpu.vector_load %arg7[%get3A_376, %get3A_377] {strides = array<i32>} : memref<200x64xf32, #tpu.memory_space<vmem>>, vector<1x16xf32>,
          %get3A_379 = vector.shape_cast %get3A_378 : vector<1x16xf32> to vector<16xf32>
          %add3A_380 = arith.addf %get3A_375, %get3A_379 : vector<16xf32>
          %swap3A_381 = arith.index_cast %scan3A_329 : i32 to index
          %swap3A_382 = arith.constant 48 : index
          %swap3A_383 = tpu.vector_load %arg11[%swap3A_381, %swap3A_382] {strides = array<i32>} : memref<200x64xf32, #tpu.memory_space<vmem>>, vector<1x16xf32>,
          %swap3A_384 = vector.shape_cast %swap3A_383 : vector<1x16xf32> to vector<16xf32>
          %swap3A_385 = vector.shape_cast %add3A_380 : vector<16xf32> to vector<1x16xf32>
          tpu.vector_store %arg11[%swap3A_381, %swap3A_382], %swap3A_385 {strides = array<i32>} : memref<200x64xf32, #tpu.memory_space<vmem>>, vector<1x16xf32>,
        }
        %scan3A_244 = arith.constant 200 : i32
        %add3A_245 = arith.constant 2 : i32
        %add3A_246 = arith.addi %scan3A_209, %add3A_245 : i32
        %mul3A_247 = arith.constant 200 : i32
        %mul3A_248 = arith.muli %add3A_246, %mul3A_247 : i32
        %multiple_of3A_249 = tpu.assume_multiple %mul3A_248, 8 : i32
        %dma_start3A_250 = arith.constant 0 : i32
        %dma_start3A_251 = arith.constant 0 : i32
        %dma_start3A_252 = tpu.memref_slice %arg9[%dma_start3A_250, %dma_start3A_251] : memref<200x64xf32, #tpu.memory_space<vmem>> -> memref<128x64xf32, #tpu.memory_space<vmem>>
        %dma_start3A_253 = tpu.memref_slice %arg6[%multiple_of3A_249] : memref<25600xi32, #tpu.memory_space<vmem>> -> memref<128xi32, #tpu.memory_space<vmem>>
        %dma_start3A_254 = arith.constant 0 : i32
        %dma_start3A_255 = arith.constant 0 : i32
        %dma_start3A_256 = tpu.memref_slice %arg2[%dma_start3A_254, %dma_start3A_255] : memref<1000000x64xf32, #tpu.memory_space<hbm>> -> memref<1000000x64xf32, #tpu.memory_space<hbm>>
        tpu.enqueue_indirect_dma source(%dma_start3A_256 : memref<1000000x64xf32, #tpu.memory_space<hbm>>) target(%dma_start3A_252 : memref<128x64xf32, #tpu.memory_space<vmem>>) offsets(%dma_start3A_253 : memref<128xi32, #tpu.memory_space<vmem>>) semaphore(%arg13 : memref<!tpu.dma_semaphore, #tpu.memory_space<semaphore_mem>>)
        %add3A_257 = arith.constant 128 : i32
        %add3A_258 = arith.addi %multiple_of3A_249, %add3A_257 : i32
        %dma_start3A_259 = arith.constant 128 : i32
        %dma_start3A_260 = arith.constant 0 : i32
        %dma_start3A_261 = tpu.memref_slice %arg9[%dma_start3A_259, %dma_start3A_260] : memref<200x64xf32, #tpu.memory_space<vmem>> -> memref<72x64xf32, #tpu.memory_space<vmem>>
        %dma_start3A_262 = tpu.memref_slice %arg6[%add3A_258] : memref<25600xi32, #tpu.memory_space<vmem>> -> memref<72xi32, #tpu.memory_space<vmem>>
        %dma_start3A_263 = arith.constant 0 : i32
        %dma_start3A_264 = arith.constant 0 : i32
        %dma_start3A_265 = tpu.memref_slice %arg2[%dma_start3A_263, %dma_start3A_264] : memref<1000000x64xf32, #tpu.memory_space<hbm>> -> memref<1000000x64xf32, #tpu.memory_space<hbm>>
        tpu.enqueue_indirect_dma source(%dma_start3A_265 : memref<1000000x64xf32, #tpu.memory_space<hbm>>) target(%dma_start3A_261 : memref<72x64xf32, #tpu.memory_space<vmem>>) offsets(%dma_start3A_262 : memref<72xi32, #tpu.memory_space<vmem>>) semaphore(%arg13 : memref<!tpu.dma_semaphore, #tpu.memory_space<semaphore_mem>>)
        %mul3A_266 = arith.constant 200 : i32
        %mul3A_267 = arith.muli %scan3A_209, %mul3A_266 : i32
        %add3A_268 = arith.addi %multiple_of3A, %mul3A_267 : i32
        %dma_start3A_269 = arith.constant 0 : i32
        %dma_start3A_270 = tpu.memref_slice %arg5[%add3A_268, %dma_start3A_269] : memref<819200x64xf32, #tpu.memory_space<hbm>> -> memref<200x64xf32, #tpu.memory_space<hbm>>
        %dma_start3A_271 = arith.constant 0 : i32
        %dma_start3A_272 = tpu.memref_slice %arg5[%add3A_268, %dma_start3A_271] : memref<819200x64xf32, #tpu.memory_space<hbm>> -> memref<200x64xf32, #tpu.memory_space<hbm>>
        tpu.enqueue_dma source(%arg11 : memref<200x64xf32, #tpu.memory_space<vmem>>) target(%dma_start3A_272 : memref<200x64xf32, #tpu.memory_space<hbm>>) target_semaphore(%arg15 : memref<!tpu.dma_semaphore, #tpu.memory_space<semaphore_mem>>)
      } else {
      }
    }
    %scan3A_130 = arith.constant 124 : i32
    %dma_wait3A_131 = arith.constant 0 : i32
    %dma_wait3A_132 = arith.constant 0 : i32
    %dma_wait3A_133 = tpu.memref_slice %arg5[%dma_wait3A_131, %dma_wait3A_132] : memref<819200x64xf32, #tpu.memory_space<hbm>> -> memref<200x64xf32, #tpu.memory_space<hbm>>
    %dma_wait3A_134 = arith.constant 0 : i32
    %dma_wait3A_135 = arith.constant 0 : i32
    %dma_wait3A_136 = tpu.memref_slice %arg5[%dma_wait3A_134, %dma_wait3A_135] : memref<819200x64xf32, #tpu.memory_space<hbm>> -> memref<200x64xf32, #tpu.memory_space<hbm>>
    tpu.wait_dma2 semaphore(%arg14 : memref<!tpu.dma_semaphore, #tpu.memory_space<semaphore_mem>>) src(%arg10 : memref<200x64xf32, #tpu.memory_space<vmem>>) dst(%dma_wait3A_136 : memref<200x64xf32, #tpu.memory_space<hbm>>)
    %dma_wait3A_137 = arith.constant 0 : i32
    %dma_wait3A_138 = arith.constant 0 : i32
    %dma_wait3A_139 = tpu.memref_slice %arg8[%dma_wait3A_137, %dma_wait3A_138] : memref<200x64xf32, #tpu.memory_space<vmem>> -> memref<128x64xf32, #tpu.memory_space<vmem>>
    %dma_wait3A_140 = arith.constant 0 : i32
    %dma_wait3A_141 = tpu.memref_slice %arg6[%dma_wait3A_140] : memref<25600xi32, #tpu.memory_space<vmem>> -> memref<128xi32, #tpu.memory_space<vmem>>
    %dma_wait3A_142 = arith.constant 0 : i32
    %dma_wait3A_143 = arith.constant 0 : i32
    %dma_wait3A_144 = tpu.memref_slice %arg2[%dma_wait3A_142, %dma_wait3A_143] : memref<1000000x64xf32, #tpu.memory_space<hbm>> -> memref<1000000x64xf32, #tpu.memory_space<hbm>>
    tpu.wait_indirect_dma semaphore(%arg12 : memref<!tpu.dma_semaphore, #tpu.memory_space<semaphore_mem>>) src(%dma_wait3A_144 : memref<1000000x64xf32, #tpu.memory_space<hbm>>) dst(%dma_wait3A_139 : memref<128x64xf32, #tpu.memory_space<vmem>>)
    %dma_wait3A_145 = arith.constant 128 : i32
    %dma_wait3A_146 = arith.constant 0 : i32
    %dma_wait3A_147 = tpu.memref_slice %arg8[%dma_wait3A_145, %dma_wait3A_146] : memref<200x64xf32, #tpu.memory_space<vmem>> -> memref<72x64xf32, #tpu.memory_space<vmem>>
    %dma_wait3A_148 = arith.constant 0 : i32
    %dma_wait3A_149 = tpu.memref_slice %arg6[%dma_wait3A_148] : memref<25600xi32, #tpu.memory_space<vmem>> -> memref<72xi32, #tpu.memory_space<vmem>>
    %dma_wait3A_150 = arith.constant 0 : i32
    %dma_wait3A_151 = arith.constant 0 : i32
    %dma_wait3A_152 = tpu.memref_slice %arg2[%dma_wait3A_150, %dma_wait3A_151] : memref<1000000x64xf32, #tpu.memory_space<hbm>> -> memref<1000000x64xf32, #tpu.memory_space<hbm>>
    tpu.wait_indirect_dma semaphore(%arg12 : memref<!tpu.dma_semaphore, #tpu.memory_space<semaphore_mem>>) src(%dma_wait3A_152 : memref<1000000x64xf32, #tpu.memory_space<hbm>>) dst(%dma_wait3A_147 : memref<72x64xf32, #tpu.memory_space<vmem>>)
    %scan3A_153 = arith.constant 0 : i32
    %scan3A_154 = arith.constant 200 : i32
    %scan3A_155 = arith.addi %scan3A_153, %scan3A_154 : i32
    %scan3A_156 = arith.constant 2 : i32
    scf.for %scan3A_209 = %scan3A_153 to %scan3A_155 step %scan3A_156  : i32 {
      %get3A = arith.index_cast %scan3A_209 : i32 to index
      %get3A_210 = arith.constant 0 : index
      %get3A_211 = tpu.vector_load %arg8[%get3A, %get3A_210] {strides = array<i32>} : memref<200x64xf32, #tpu.memory_space<vmem>>, vector<1x16xf32>,
      %get3A_212 = vector.shape_cast %get3A_211 : vector<1x16xf32> to vector<16xf32>
      %get3A_213 = arith.index_cast %scan3A_209 : i32 to index
      %get3A_214 = arith.constant 0 : index
      %get3A_215 = tpu.vector_load %arg7[%get3A_213, %get3A_214] {strides = array<i32>} : memref<200x64xf32, #tpu.memory_space<vmem>>, vector<1x16xf32>,
      %get3A_216 = vector.shape_cast %get3A_215 : vector<1x16xf32> to vector<16xf32>
      %add3A_217 = arith.addf %get3A_212, %get3A_216 : vector<16xf32>
      %swap3A = arith.index_cast %scan3A_209 : i32 to index
      %swap3A_218 = arith.constant 0 : index
      %swap3A_219 = tpu.vector_load %arg10[%swap3A, %swap3A_218] {strides = array<i32>} : memref<200x64xf32, #tpu.memory_space<vmem>>, vector<1x16xf32>,
      %swap3A_220 = vector.shape_cast %swap3A_219 : vector<1x16xf32> to vector<16xf32>
      %swap3A_221 = vector.shape_cast %add3A_217 : vector<16xf32> to vector<1x16xf32>
      tpu.vector_store %arg10[%swap3A, %swap3A_218], %swap3A_221 {strides = array<i32>} : memref<200x64xf32, #tpu.memory_space<vmem>>, vector<1x16xf32>,
      %get3A_222 = arith.index_cast %scan3A_209 : i32 to index
      %get3A_223 = arith.constant 16 : index
      %get3A_224 = tpu.vector_load %arg8[%get3A_222, %get3A_223] {strides = array<i32>} : memref<200x64xf32, #tpu.memory_space<vmem>>, vector<1x16xf32>,
      %get3A_225 = vector.shape_cast %get3A_224 : vector<1x16xf32> to vector<16xf32>
      %get3A_226 = arith.index_cast %scan3A_209 : i32 to index
      %get3A_227 = arith.constant 16 : index
      %get3A_228 = tpu.vector_load %arg7[%get3A_226, %get3A_227] {strides = array<i32>} : memref<200x64xf32, #tpu.memory_space<vmem>>, vector<1x16xf32>,
      %get3A_229 = vector.shape_cast %get3A_228 : vector<1x16xf32> to vector<16xf32>
      %add3A_230 = arith.addf %get3A_225, %get3A_229 : vector<16xf32>
      %swap3A_231 = arith.index_cast %scan3A_209 : i32 to index
      %swap3A_232 = arith.constant 16 : index
      %swap3A_233 = tpu.vector_load %arg10[%swap3A_231, %swap3A_232] {strides = array<i32>} : memref<200x64xf32, #tpu.memory_space<vmem>>, vector<1x16xf32>,
      %swap3A_234 = vector.shape_cast %swap3A_233 : vector<1x16xf32> to vector<16xf32>
      %swap3A_235 = vector.shape_cast %add3A_230 : vector<16xf32> to vector<1x16xf32>
      tpu.vector_store %arg10[%swap3A_231, %swap3A_232], %swap3A_235 {strides = array<i32>} : memref<200x64xf32, #tpu.memory_space<vmem>>, vector<1x16xf32>,
      %get3A_236 = arith.index_cast %scan3A_209 : i32 to index
      %get3A_237 = arith.constant 32 : index
      %get3A_238 = tpu.vector_load %arg8[%get3A_236, %get3A_237] {strides = array<i32>} : memref<200x64xf32, #tpu.memory_space<vmem>>, vector<1x16xf32>,
      %get3A_239 = vector.shape_cast %get3A_238 : vector<1x16xf32> to vector<16xf32>
      %get3A_240 = arith.index_cast %scan3A_209 : i32 to index
      %get3A_241 = arith.constant 32 : index
      %get3A_242 = tpu.vector_load %arg7[%get3A_240, %get3A_241] {strides = array<i32>} : memref<200x64xf32, #tpu.memory_space<vmem>>, vector<1x16xf32>,
      %get3A_243 = vector.shape_cast %get3A_242 : vector<1x16xf32> to vector<16xf32>
      %add3A_244 = arith.addf %get3A_239, %get3A_243 : vector<16xf32>
      %swap3A_245 = arith.index_cast %scan3A_209 : i32 to index
      %swap3A_246 = arith.constant 32 : index
      %swap3A_247 = tpu.vector_load %arg10[%swap3A_245, %swap3A_246] {strides = array<i32>} : memref<200x64xf32, #tpu.memory_space<vmem>>, vector<1x16xf32>,
      %swap3A_248 = vector.shape_cast %swap3A_247 : vector<1x16xf32> to vector<16xf32>
      %swap3A_249 = vector.shape_cast %add3A_244 : vector<16xf32> to vector<1x16xf32>
      tpu.vector_store %arg10[%swap3A_245, %swap3A_246], %swap3A_249 {strides = array<i32>} : memref<200x64xf32, #tpu.memory_space<vmem>>, vector<1x16xf32>,
      %get3A_250 = arith.index_cast %scan3A_209 : i32 to index
      %get3A_251 = arith.constant 48 : index
      %get3A_252 = tpu.vector_load %arg8[%get3A_250, %get3A_251] {strides = array<i32>} : memref<200x64xf32, #tpu.memory_space<vmem>>, vector<1x16xf32>,
      %get3A_253 = vector.shape_cast %get3A_252 : vector<1x16xf32> to vector<16xf32>
      %get3A_254 = arith.index_cast %scan3A_209 : i32 to index
      %get3A_255 = arith.constant 48 : index
      %get3A_256 = tpu.vector_load %arg7[%get3A_254, %get3A_255] {strides = array<i32>} : memref<200x64xf32, #tpu.memory_space<vmem>>, vector<1x16xf32>,
      %get3A_257 = vector.shape_cast %get3A_256 : vector<1x16xf32> to vector<16xf32>
      %add3A_258 = arith.addf %get3A_253, %get3A_257 : vector<16xf32>
      %swap3A_259 = arith.index_cast %scan3A_209 : i32 to index
      %swap3A_260 = arith.constant 48 : index
      %swap3A_261 = tpu.vector_load %arg10[%swap3A_259, %swap3A_260] {strides = array<i32>} : memref<200x64xf32, #tpu.memory_space<vmem>>, vector<1x16xf32>,
      %swap3A_262 = vector.shape_cast %swap3A_261 : vector<1x16xf32> to vector<16xf32>
      %swap3A_263 = vector.shape_cast %add3A_258 : vector<16xf32> to vector<1x16xf32>
      tpu.vector_store %arg10[%swap3A_259, %swap3A_260], %swap3A_263 {strides = array<i32>} : memref<200x64xf32, #tpu.memory_space<vmem>>, vector<1x16xf32>,
      %scan3A_264 = arith.constant 1 : i32
      %scan3A_265 = arith.addi %scan3A_209, %scan3A_264 : i32
      %get3A_266 = arith.index_cast %scan3A_265 : i32 to index
      %get3A_267 = arith.constant 0 : index
      %get3A_268 = tpu.vector_load %arg8[%get3A_266, %get3A_267] {strides = array<i32>} : memref<200x64xf32, #tpu.memory_space<vmem>>, vector<1x16xf32>,
      %get3A_269 = vector.shape_cast %get3A_268 : vector<1x16xf32> to vector<16xf32>
      %get3A_270 = arith.index_cast %scan3A_265 : i32 to index
      %get3A_271 = arith.constant 0 : index
      %get3A_272 = tpu.vector_load %arg7[%get3A_270, %get3A_271] {strides = array<i32>} : memref<200x64xf32, #tpu.memory_space<vmem>>, vector<1x16xf32>,
      %get3A_273 = vector.shape_cast %get3A_272 : vector<1x16xf32> to vector<16xf32>
      %add3A_274 = arith.addf %get3A_269, %get3A_273 : vector<16xf32>
      %swap3A_275 = arith.index_cast %scan3A_265 : i32 to index
      %swap3A_276 = arith.constant 0 : index
      %swap3A_277 = tpu.vector_load %arg10[%swap3A_275, %swap3A_276] {strides = array<i32>} : memref<200x64xf32, #tpu.memory_space<vmem>>, vector<1x16xf32>,
      %swap3A_278 = vector.shape_cast %swap3A_277 : vector<1x16xf32> to vector<16xf32>
      %swap3A_279 = vector.shape_cast %add3A_274 : vector<16xf32> to vector<1x16xf32>
      tpu.vector_store %arg10[%swap3A_275, %swap3A_276], %swap3A_279 {strides = array<i32>} : memref<200x64xf32, #tpu.memory_space<vmem>>, vector<1x16xf32>,
      %get3A_280 = arith.index_cast %scan3A_265 : i32 to index
      %get3A_281 = arith.constant 16 : index
      %get3A_282 = tpu.vector_load %arg8[%get3A_280, %get3A_281] {strides = array<i32>} : memref<200x64xf32, #tpu.memory_space<vmem>>, vector<1x16xf32>,
      %get3A_283 = vector.shape_cast %get3A_282 : vector<1x16xf32> to vector<16xf32>
      %get3A_284 = arith.index_cast %scan3A_265 : i32 to index
      %get3A_285 = arith.constant 16 : index
      %get3A_286 = tpu.vector_load %arg7[%get3A_284, %get3A_285] {strides = array<i32>} : memref<200x64xf32, #tpu.memory_space<vmem>>, vector<1x16xf32>,
      %get3A_287 = vector.shape_cast %get3A_286 : vector<1x16xf32> to vector<16xf32>
      %add3A_288 = arith.addf %get3A_283, %get3A_287 : vector<16xf32>
      %swap3A_289 = arith.index_cast %scan3A_265 : i32 to index
      %swap3A_290 = arith.constant 16 : index
      %swap3A_291 = tpu.vector_load %arg10[%swap3A_289, %swap3A_290] {strides = array<i32>} : memref<200x64xf32, #tpu.memory_space<vmem>>, vector<1x16xf32>,
      %swap3A_292 = vector.shape_cast %swap3A_291 : vector<1x16xf32> to vector<16xf32>
      %swap3A_293 = vector.shape_cast %add3A_288 : vector<16xf32> to vector<1x16xf32>
      tpu.vector_store %arg10[%swap3A_289, %swap3A_290], %swap3A_293 {strides = array<i32>} : memref<200x64xf32, #tpu.memory_space<vmem>>, vector<1x16xf32>,
      %get3A_294 = arith.index_cast %scan3A_265 : i32 to index
      %get3A_295 = arith.constant 32 : index
      %get3A_296 = tpu.vector_load %arg8[%get3A_294, %get3A_295] {strides = array<i32>} : memref<200x64xf32, #tpu.memory_space<vmem>>, vector<1x16xf32>,
      %get3A_297 = vector.shape_cast %get3A_296 : vector<1x16xf32> to vector<16xf32>
      %get3A_298 = arith.index_cast %scan3A_265 : i32 to index
      %get3A_299 = arith.constant 32 : index
      %get3A_300 = tpu.vector_load %arg7[%get3A_298, %get3A_299] {strides = array<i32>} : memref<200x64xf32, #tpu.memory_space<vmem>>, vector<1x16xf32>,
      %get3A_301 = vector.shape_cast %get3A_300 : vector<1x16xf32> to vector<16xf32>
      %add3A_302 = arith.addf %get3A_297, %get3A_301 : vector<16xf32>
      %swap3A_303 = arith.index_cast %scan3A_265 : i32 to index
      %swap3A_304 = arith.constant 32 : index
      %swap3A_305 = tpu.vector_load %arg10[%swap3A_303, %swap3A_304] {strides = array<i32>} : memref<200x64xf32, #tpu.memory_space<vmem>>, vector<1x16xf32>,
      %swap3A_306 = vector.shape_cast %swap3A_305 : vector<1x16xf32> to vector<16xf32>
      %swap3A_307 = vector.shape_cast %add3A_302 : vector<16xf32> to vector<1x16xf32>
      tpu.vector_store %arg10[%swap3A_303, %swap3A_304], %swap3A_307 {strides = array<i32>} : memref<200x64xf32, #tpu.memory_space<vmem>>, vector<1x16xf32>,
      %get3A_308 = arith.index_cast %scan3A_265 : i32 to index
      %get3A_309 = arith.constant 48 : index
      %get3A_310 = tpu.vector_load %arg8[%get3A_308, %get3A_309] {strides = array<i32>} : memref<200x64xf32, #tpu.memory_space<vmem>>, vector<1x16xf32>,
      %get3A_311 = vector.shape_cast %get3A_310 : vector<1x16xf32> to vector<16xf32>
      %get3A_312 = arith.index_cast %scan3A_265 : i32 to index
      %get3A_313 = arith.constant 48 : index
      %get3A_314 = tpu.vector_load %arg7[%get3A_312, %get3A_313] {strides = array<i32>} : memref<200x64xf32, #tpu.memory_space<vmem>>, vector<1x16xf32>,
      %get3A_315 = vector.shape_cast %get3A_314 : vector<1x16xf32> to vector<16xf32>
      %add3A_316 = arith.addf %get3A_311, %get3A_315 : vector<16xf32>
      %swap3A_317 = arith.index_cast %scan3A_265 : i32 to index
      %swap3A_318 = arith.constant 48 : index
      %swap3A_319 = tpu.vector_load %arg10[%swap3A_317, %swap3A_318] {strides = array<i32>} : memref<200x64xf32, #tpu.memory_space<vmem>>, vector<1x16xf32>,
      %swap3A_320 = vector.shape_cast %swap3A_319 : vector<1x16xf32> to vector<16xf32>
      %swap3A_321 = vector.shape_cast %add3A_316 : vector<16xf32> to vector<1x16xf32>
      tpu.vector_store %arg10[%swap3A_317, %swap3A_318], %swap3A_321 {strides = array<i32>} : memref<200x64xf32, #tpu.memory_space<vmem>>, vector<1x16xf32>,
    }
    %scan3A_157 = arith.constant 200 : i32
    %add3A_158 = arith.constant 25200 : i32
    %add3A_159 = arith.addi %multiple_of3A, %add3A_158 : i32
    %dma_start3A_160 = arith.constant 0 : i32
    %dma_start3A_161 = tpu.memref_slice %arg5[%add3A_159, %dma_start3A_160] : memref<819200x64xf32, #tpu.memory_space<hbm>> -> memref<200x64xf32, #tpu.memory_space<hbm>>
    %dma_start3A_162 = arith.constant 0 : i32
    %dma_start3A_163 = tpu.memref_slice %arg5[%add3A_159, %dma_start3A_162] : memref<819200x64xf32, #tpu.memory_space<hbm>> -> memref<200x64xf32, #tpu.memory_space<hbm>>
    tpu.enqueue_dma source(%arg10 : memref<200x64xf32, #tpu.memory_space<vmem>>) target(%dma_start3A_163 : memref<200x64xf32, #tpu.memory_space<hbm>>) target_semaphore(%arg14 : memref<!tpu.dma_semaphore, #tpu.memory_space<semaphore_mem>>)
    %dma_wait3A_164 = arith.constant 0 : i32
    %dma_wait3A_165 = arith.constant 0 : i32
    %dma_wait3A_166 = tpu.memref_slice %arg5[%dma_wait3A_164, %dma_wait3A_165] : memref<819200x64xf32, #tpu.memory_space<hbm>> -> memref<200x64xf32, #tpu.memory_space<hbm>>
    %dma_wait3A_167 = arith.constant 0 : i32
    %dma_wait3A_168 = arith.constant 0 : i32
    %dma_wait3A_169 = tpu.memref_slice %arg5[%dma_wait3A_167, %dma_wait3A_168] : memref<819200x64xf32, #tpu.memory_space<hbm>> -> memref<200x64xf32, #tpu.memory_space<hbm>>
    tpu.wait_dma2 semaphore(%arg15 : memref<!tpu.dma_semaphore, #tpu.memory_space<semaphore_mem>>) src(%arg11 : memref<200x64xf32, #tpu.memory_space<vmem>>) dst(%dma_wait3A_169 : memref<200x64xf32, #tpu.memory_space<hbm>>)
    %dma_wait3A_170 = arith.constant 0 : i32
    %dma_wait3A_171 = arith.constant 0 : i32
    %dma_wait3A_172 = tpu.memref_slice %arg9[%dma_wait3A_170, %dma_wait3A_171] : memref<200x64xf32, #tpu.memory_space<vmem>> -> memref<128x64xf32, #tpu.memory_space<vmem>>
    %dma_wait3A_173 = arith.constant 0 : i32
    %dma_wait3A_174 = tpu.memref_slice %arg6[%dma_wait3A_173] : memref<25600xi32, #tpu.memory_space<vmem>> -> memref<128xi32, #tpu.memory_space<vmem>>
    %dma_wait3A_175 = arith.constant 0 : i32
    %dma_wait3A_176 = arith.constant 0 : i32
    %dma_wait3A_177 = tpu.memref_slice %arg2[%dma_wait3A_175, %dma_wait3A_176] : memref<1000000x64xf32, #tpu.memory_space<hbm>> -> memref<1000000x64xf32, #tpu.memory_space<hbm>>
    tpu.wait_indirect_dma semaphore(%arg13 : memref<!tpu.dma_semaphore, #tpu.memory_space<semaphore_mem>>) src(%dma_wait3A_177 : memref<1000000x64xf32, #tpu.memory_space<hbm>>) dst(%dma_wait3A_172 : memref<128x64xf32, #tpu.memory_space<vmem>>)
    %dma_wait3A_178 = arith.constant 128 : i32
    %dma_wait3A_179 = arith.constant 0 : i32
    %dma_wait3A_180 = tpu.memref_slice %arg9[%dma_wait3A_178, %dma_wait3A_179] : memref<200x64xf32, #tpu.memory_space<vmem>> -> memref<72x64xf32, #tpu.memory_space<vmem>>
    %dma_wait3A_181 = arith.constant 0 : i32
    %dma_wait3A_182 = tpu.memref_slice %arg6[%dma_wait3A_181] : memref<25600xi32, #tpu.memory_space<vmem>> -> memref<72xi32, #tpu.memory_space<vmem>>
    %dma_wait3A_183 = arith.constant 0 : i32
    %dma_wait3A_184 = arith.constant 0 : i32
    %dma_wait3A_185 = tpu.memref_slice %arg2[%dma_wait3A_183, %dma_wait3A_184] : memref<1000000x64xf32, #tpu.memory_space<hbm>> -> memref<1000000x64xf32, #tpu.memory_space<hbm>>
    tpu.wait_indirect_dma semaphore(%arg13 : memref<!tpu.dma_semaphore, #tpu.memory_space<semaphore_mem>>) src(%dma_wait3A_185 : memref<1000000x64xf32, #tpu.memory_space<hbm>>) dst(%dma_wait3A_180 : memref<72x64xf32, #tpu.memory_space<vmem>>)
    %scan3A_186 = arith.constant 0 : i32
    %scan3A_187 = arith.constant 200 : i32
    %scan3A_188 = arith.addi %scan3A_186, %scan3A_187 : i32
    %scan3A_189 = arith.constant 2 : i32
    scf.for %scan3A_209 = %scan3A_186 to %scan3A_188 step %scan3A_189  : i32 {
      %get3A = arith.index_cast %scan3A_209 : i32 to index
      %get3A_210 = arith.constant 0 : index
      %get3A_211 = tpu.vector_load %arg9[%get3A, %get3A_210] {strides = array<i32>} : memref<200x64xf32, #tpu.memory_space<vmem>>, vector<1x16xf32>,
      %get3A_212 = vector.shape_cast %get3A_211 : vector<1x16xf32> to vector<16xf32>
      %get3A_213 = arith.index_cast %scan3A_209 : i32 to index
      %get3A_214 = arith.constant 0 : index
      %get3A_215 = tpu.vector_load %arg7[%get3A_213, %get3A_214] {strides = array<i32>} : memref<200x64xf32, #tpu.memory_space<vmem>>, vector<1x16xf32>,
      %get3A_216 = vector.shape_cast %get3A_215 : vector<1x16xf32> to vector<16xf32>
      %add3A_217 = arith.addf %get3A_212, %get3A_216 : vector<16xf32>
      %swap3A = arith.index_cast %scan3A_209 : i32 to index
      %swap3A_218 = arith.constant 0 : index
      %swap3A_219 = tpu.vector_load %arg11[%swap3A, %swap3A_218] {strides = array<i32>} : memref<200x64xf32, #tpu.memory_space<vmem>>, vector<1x16xf32>,
      %swap3A_220 = vector.shape_cast %swap3A_219 : vector<1x16xf32> to vector<16xf32>
      %swap3A_221 = vector.shape_cast %add3A_217 : vector<16xf32> to vector<1x16xf32>
      tpu.vector_store %arg11[%swap3A, %swap3A_218], %swap3A_221 {strides = array<i32>} : memref<200x64xf32, #tpu.memory_space<vmem>>, vector<1x16xf32>,
      %get3A_222 = arith.index_cast %scan3A_209 : i32 to index
      %get3A_223 = arith.constant 16 : index
      %get3A_224 = tpu.vector_load %arg9[%get3A_222, %get3A_223] {strides = array<i32>} : memref<200x64xf32, #tpu.memory_space<vmem>>, vector<1x16xf32>,
      %get3A_225 = vector.shape_cast %get3A_224 : vector<1x16xf32> to vector<16xf32>
      %get3A_226 = arith.index_cast %scan3A_209 : i32 to index
      %get3A_227 = arith.constant 16 : index
      %get3A_228 = tpu.vector_load %arg7[%get3A_226, %get3A_227] {strides = array<i32>} : memref<200x64xf32, #tpu.memory_space<vmem>>, vector<1x16xf32>,
      %get3A_229 = vector.shape_cast %get3A_228 : vector<1x16xf32> to vector<16xf32>
      %add3A_230 = arith.addf %get3A_225, %get3A_229 : vector<16xf32>
      %swap3A_231 = arith.index_cast %scan3A_209 : i32 to index
      %swap3A_232 = arith.constant 16 : index
      %swap3A_233 = tpu.vector_load %arg11[%swap3A_231, %swap3A_232] {strides = array<i32>} : memref<200x64xf32, #tpu.memory_space<vmem>>, vector<1x16xf32>,
      %swap3A_234 = vector.shape_cast %swap3A_233 : vector<1x16xf32> to vector<16xf32>
      %swap3A_235 = vector.shape_cast %add3A_230 : vector<16xf32> to vector<1x16xf32>
      tpu.vector_store %arg11[%swap3A_231, %swap3A_232], %swap3A_235 {strides = array<i32>} : memref<200x64xf32, #tpu.memory_space<vmem>>, vector<1x16xf32>,
      %get3A_236 = arith.index_cast %scan3A_209 : i32 to index
      %get3A_237 = arith.constant 32 : index
      %get3A_238 = tpu.vector_load %arg9[%get3A_236, %get3A_237] {strides = array<i32>} : memref<200x64xf32, #tpu.memory_space<vmem>>, vector<1x16xf32>,
      %get3A_239 = vector.shape_cast %get3A_238 : vector<1x16xf32> to vector<16xf32>
      %get3A_240 = arith.index_cast %scan3A_209 : i32 to index
      %get3A_241 = arith.constant 32 : index
      %get3A_242 = tpu.vector_load %arg7[%get3A_240, %get3A_241] {strides = array<i32>} : memref<200x64xf32, #tpu.memory_space<vmem>>, vector<1x16xf32>,
      %get3A_243 = vector.shape_cast %get3A_242 : vector<1x16xf32> to vector<16xf32>
      %add3A_244 = arith.addf %get3A_239, %get3A_243 : vector<16xf32>
      %swap3A_245 = arith.index_cast %scan3A_209 : i32 to index
      %swap3A_246 = arith.constant 32 : index
      %swap3A_247 = tpu.vector_load %arg11[%swap3A_245, %swap3A_246] {strides = array<i32>} : memref<200x64xf32, #tpu.memory_space<vmem>>, vector<1x16xf32>,
      %swap3A_248 = vector.shape_cast %swap3A_247 : vector<1x16xf32> to vector<16xf32>
      %swap3A_249 = vector.shape_cast %add3A_244 : vector<16xf32> to vector<1x16xf32>
      tpu.vector_store %arg11[%swap3A_245, %swap3A_246], %swap3A_249 {strides = array<i32>} : memref<200x64xf32, #tpu.memory_space<vmem>>, vector<1x16xf32>,
      %get3A_250 = arith.index_cast %scan3A_209 : i32 to index
      %get3A_251 = arith.constant 48 : index
      %get3A_252 = tpu.vector_load %arg9[%get3A_250, %get3A_251] {strides = array<i32>} : memref<200x64xf32, #tpu.memory_space<vmem>>, vector<1x16xf32>,
      %get3A_253 = vector.shape_cast %get3A_252 : vector<1x16xf32> to vector<16xf32>
      %get3A_254 = arith.index_cast %scan3A_209 : i32 to index
      %get3A_255 = arith.constant 48 : index
      %get3A_256 = tpu.vector_load %arg7[%get3A_254, %get3A_255] {strides = array<i32>} : memref<200x64xf32, #tpu.memory_space<vmem>>, vector<1x16xf32>,
      %get3A_257 = vector.shape_cast %get3A_256 : vector<1x16xf32> to vector<16xf32>
      %add3A_258 = arith.addf %get3A_253, %get3A_257 : vector<16xf32>
      %swap3A_259 = arith.index_cast %scan3A_209 : i32 to index
      %swap3A_260 = arith.constant 48 : index
      %swap3A_261 = tpu.vector_load %arg11[%swap3A_259, %swap3A_260] {strides = array<i32>} : memref<200x64xf32, #tpu.memory_space<vmem>>, vector<1x16xf32>,
      %swap3A_262 = vector.shape_cast %swap3A_261 : vector<1x16xf32> to vector<16xf32>
      %swap3A_263 = vector.shape_cast %add3A_258 : vector<16xf32> to vector<1x16xf32>
      tpu.vector_store %arg11[%swap3A_259, %swap3A_260], %swap3A_263 {strides = array<i32>} : memref<200x64xf32, #tpu.memory_space<vmem>>, vector<1x16xf32>,
      %scan3A_264 = arith.constant 1 : i32
      %scan3A_265 = arith.addi %scan3A_209, %scan3A_264 : i32
      %get3A_266 = arith.index_cast %scan3A_265 : i32 to index
      %get3A_267 = arith.constant 0 : index
      %get3A_268 = tpu.vector_load %arg9[%get3A_266, %get3A_267] {strides = array<i32>} : memref<200x64xf32, #tpu.memory_space<vmem>>, vector<1x16xf32>,
      %get3A_269 = vector.shape_cast %get3A_268 : vector<1x16xf32> to vector<16xf32>
      %get3A_270 = arith.index_cast %scan3A_265 : i32 to index
      %get3A_271 = arith.constant 0 : index
      %get3A_272 = tpu.vector_load %arg7[%get3A_270, %get3A_271] {strides = array<i32>} : memref<200x64xf32, #tpu.memory_space<vmem>>, vector<1x16xf32>,
      %get3A_273 = vector.shape_cast %get3A_272 : vector<1x16xf32> to vector<16xf32>
      %add3A_274 = arith.addf %get3A_269, %get3A_273 : vector<16xf32>
      %swap3A_275 = arith.index_cast %scan3A_265 : i32 to index
      %swap3A_276 = arith.constant 0 : index
      %swap3A_277 = tpu.vector_load %arg11[%swap3A_275, %swap3A_276] {strides = array<i32>} : memref<200x64xf32, #tpu.memory_space<vmem>>, vector<1x16xf32>,
      %swap3A_278 = vector.shape_cast %swap3A_277 : vector<1x16xf32> to vector<16xf32>
      %swap3A_279 = vector.shape_cast %add3A_274 : vector<16xf32> to vector<1x16xf32>
      tpu.vector_store %arg11[%swap3A_275, %swap3A_276], %swap3A_279 {strides = array<i32>} : memref<200x64xf32, #tpu.memory_space<vmem>>, vector<1x16xf32>,
      %get3A_280 = arith.index_cast %scan3A_265 : i32 to index
      %get3A_281 = arith.constant 16 : index
      %get3A_282 = tpu.vector_load %arg9[%get3A_280, %get3A_281] {strides = array<i32>} : memref<200x64xf32, #tpu.memory_space<vmem>>, vector<1x16xf32>,
      %get3A_283 = vector.shape_cast %get3A_282 : vector<1x16xf32> to vector<16xf32>
      %get3A_284 = arith.index_cast %scan3A_265 : i32 to index
      %get3A_285 = arith.constant 16 : index
      %get3A_286 = tpu.vector_load %arg7[%get3A_284, %get3A_285] {strides = array<i32>} : memref<200x64xf32, #tpu.memory_space<vmem>>, vector<1x16xf32>,
      %get3A_287 = vector.shape_cast %get3A_286 : vector<1x16xf32> to vector<16xf32>
      %add3A_288 = arith.addf %get3A_283, %get3A_287 : vector<16xf32>
      %swap3A_289 = arith.index_cast %scan3A_265 : i32 to index
      %swap3A_290 = arith.constant 16 : index
      %swap3A_291 = tpu.vector_load %arg11[%swap3A_289, %swap3A_290] {strides = array<i32>} : memref<200x64xf32, #tpu.memory_space<vmem>>, vector<1x16xf32>,
      %swap3A_292 = vector.shape_cast %swap3A_291 : vector<1x16xf32> to vector<16xf32>
      %swap3A_293 = vector.shape_cast %add3A_288 : vector<16xf32> to vector<1x16xf32>
      tpu.vector_store %arg11[%swap3A_289, %swap3A_290], %swap3A_293 {strides = array<i32>} : memref<200x64xf32, #tpu.memory_space<vmem>>, vector<1x16xf32>,
      %get3A_294 = arith.index_cast %scan3A_265 : i32 to index
      %get3A_295 = arith.constant 32 : index
      %get3A_296 = tpu.vector_load %arg9[%get3A_294, %get3A_295] {strides = array<i32>} : memref<200x64xf32, #tpu.memory_space<vmem>>, vector<1x16xf32>,
      %get3A_297 = vector.shape_cast %get3A_296 : vector<1x16xf32> to vector<16xf32>
      %get3A_298 = arith.index_cast %scan3A_265 : i32 to index
      %get3A_299 = arith.constant 32 : index
      %get3A_300 = tpu.vector_load %arg7[%get3A_298, %get3A_299] {strides = array<i32>} : memref<200x64xf32, #tpu.memory_space<vmem>>, vector<1x16xf32>,
      %get3A_301 = vector.shape_cast %get3A_300 : vector<1x16xf32> to vector<16xf32>
      %add3A_302 = arith.addf %get3A_297, %get3A_301 : vector<16xf32>
      %swap3A_303 = arith.index_cast %scan3A_265 : i32 to index
      %swap3A_304 = arith.constant 32 : index
      %swap3A_305 = tpu.vector_load %arg11[%swap3A_303, %swap3A_304] {strides = array<i32>} : memref<200x64xf32, #tpu.memory_space<vmem>>, vector<1x16xf32>,
      %swap3A_306 = vector.shape_cast %swap3A_305 : vector<1x16xf32> to vector<16xf32>
      %swap3A_307 = vector.shape_cast %add3A_302 : vector<16xf32> to vector<1x16xf32>
      tpu.vector_store %arg11[%swap3A_303, %swap3A_304], %swap3A_307 {strides = array<i32>} : memref<200x64xf32, #tpu.memory_space<vmem>>, vector<1x16xf32>,
      %get3A_308 = arith.index_cast %scan3A_265 : i32 to index
      %get3A_309 = arith.constant 48 : index
      %get3A_310 = tpu.vector_load %arg9[%get3A_308, %get3A_309] {strides = array<i32>} : memref<200x64xf32, #tpu.memory_space<vmem>>, vector<1x16xf32>,
      %get3A_311 = vector.shape_cast %get3A_310 : vector<1x16xf32> to vector<16xf32>
      %get3A_312 = arith.index_cast %scan3A_265 : i32 to index
      %get3A_313 = arith.constant 48 : index
      %get3A_314 = tpu.vector_load %arg7[%get3A_312, %get3A_313] {strides = array<i32>} : memref<200x64xf32, #tpu.memory_space<vmem>>, vector<1x16xf32>,
      %get3A_315 = vector.shape_cast %get3A_314 : vector<1x16xf32> to vector<16xf32>
      %add3A_316 = arith.addf %get3A_311, %get3A_315 : vector<16xf32>
      %swap3A_317 = arith.index_cast %scan3A_265 : i32 to index
      %swap3A_318 = arith.constant 48 : index
      %swap3A_319 = tpu.vector_load %arg11[%swap3A_317, %swap3A_318] {strides = array<i32>} : memref<200x64xf32, #tpu.memory_space<vmem>>, vector<1x16xf32>,
      %swap3A_320 = vector.shape_cast %swap3A_319 : vector<1x16xf32> to vector<16xf32>
      %swap3A_321 = vector.shape_cast %add3A_316 : vector<16xf32> to vector<1x16xf32>
      tpu.vector_store %arg11[%swap3A_317, %swap3A_318], %swap3A_321 {strides = array<i32>} : memref<200x64xf32, #tpu.memory_space<vmem>>, vector<1x16xf32>,
    }
    %scan3A_190 = arith.constant 200 : i32
    %add3A_191 = arith.constant 25400 : i32
    %add3A_192 = arith.addi %multiple_of3A, %add3A_191 : i32
    %dma_start3A_193 = arith.constant 0 : i32
    %dma_start3A_194 = tpu.memref_slice %arg5[%add3A_192, %dma_start3A_193] : memref<819200x64xf32, #tpu.memory_space<hbm>> -> memref<200x64xf32, #tpu.memory_space<hbm>>
    %dma_start3A_195 = arith.constant 0 : i32
    %dma_start3A_196 = tpu.memref_slice %arg5[%add3A_192, %dma_start3A_195] : memref<819200x64xf32, #tpu.memory_space<hbm>> -> memref<200x64xf32, #tpu.memory_space<hbm>>
    tpu.enqueue_dma source(%arg11 : memref<200x64xf32, #tpu.memory_space<vmem>>) target(%dma_start3A_196 : memref<200x64xf32, #tpu.memory_space<hbm>>) target_semaphore(%arg15 : memref<!tpu.dma_semaphore, #tpu.memory_space<semaphore_mem>>)
    %dma_wait3A_197 = arith.constant 0 : i32
    %dma_wait3A_198 = arith.constant 0 : i32
    %dma_wait3A_199 = tpu.memref_slice %arg5[%dma_wait3A_197, %dma_wait3A_198] : memref<819200x64xf32, #tpu.memory_space<hbm>> -> memref<200x64xf32, #tpu.memory_space<hbm>>
    %dma_wait3A_200 = arith.constant 0 : i32
    %dma_wait3A_201 = arith.constant 0 : i32
    %dma_wait3A_202 = tpu.memref_slice %arg5[%dma_wait3A_200, %dma_wait3A_201] : memref<819200x64xf32, #tpu.memory_space<hbm>> -> memref<200x64xf32, #tpu.memory_space<hbm>>
    tpu.wait_dma2 semaphore(%arg14 : memref<!tpu.dma_semaphore, #tpu.memory_space<semaphore_mem>>) src(%arg10 : memref<200x64xf32, #tpu.memory_space<vmem>>) dst(%dma_wait3A_202 : memref<200x64xf32, #tpu.memory_space<hbm>>)
    %dma_wait3A_203 = arith.constant 0 : i32
    %dma_wait3A_204 = arith.constant 0 : i32
    %dma_wait3A_205 = tpu.memref_slice %arg5[%dma_wait3A_203, %dma_wait3A_204] : memref<819200x64xf32, #tpu.memory_space<hbm>> -> memref<200x64xf32, #tpu.memory_space<hbm>>
    %dma_wait3A_206 = arith.constant 0 : i32
    %dma_wait3A_207 = arith.constant 0 : i32
    %dma_wait3A_208 = tpu.memref_slice %arg5[%dma_wait3A_206, %dma_wait3A_207] : memref<819200x64xf32, #tpu.memory_space<hbm>> -> memref<200x64xf32, #tpu.memory_space<hbm>>
    tpu.wait_dma2 semaphore(%arg15 : memref<!tpu.dma_semaphore, #tpu.memory_space<semaphore_mem>>) src(%arg11 : memref<200x64xf32, #tpu.memory_space<vmem>>) dst(%dma_wait3A_208 : memref<200x64xf32, #tpu.memory_space<hbm>>)
    return
  }
}

</mosaic_0001>

<sc_bundles>
// kernel: _run.3.cloned.1.call-start
scs
__scs_entry_jumppad:
0x0: {  	(pc) =	sbr.rel $0x88, $3  }
0x1: {  	(tag) =	ssettag $0x0;
	lr =	simm.s32 $0x1  }
0x2: {  	[smem:$0x3F9E] =	sst lr;
	_ =	strace $0xD0000000  }
0x3: {  	_ = 	snop  }
0x4: {  	_ = 	snop  }
0x5: {  	_ = 	snop  }
0x6: {  	_ = 	snop  }
0x7: {  	_ = 	snop  }
__scs_overlays_trampoline_lowered:
0x8: {  	[smem:$0x3FAD] =	sst s0  }
0x9: {  	[smem:$0x3FAE] =	sst s1  }
0xa: {  	[smem:$0x3FAF] =	sst s2  }
0xb: {  	[smem:$0x3FB0] =	sst s3  }
0xc: {  	[smem:$0x3FB1] =	sst s4  }
0xd: {  	[smem:$0x3FB2] =	sst s5  }
0xe: {  	[smem:$0x3FB3] =	sst s6  }
0xf: {  	[smem:$0x3FB4] =	sst s7  }
0x10: {  	[smem:$0x3FB5] =	sst s8  }
0x11: {  	[smem:$0x3FB6] =	sst s9;
	s0 =	simm.s32 @!p0 $0x0  }
0x12: {  	s1 =	sld [smem:$0x3F9C];
	s0 =	simm.s32 @p0 $0x1  }
0x13: {  	[smem:$0x3FB7] =	sst s0;
	s0 =	simm.s32 @!p1 $0x0  }
0x14: {  	s2 =	sld [smem:$0x3F9B];
	s0 =	simm.s32 @p1 $0x1  }
0x15: {  	[smem:$0x3FB8] =	sst s0;
	s0 =	simm.s32 @!p2 $0x0  }
0x16: {  	s3 =	sld [smem:$0x3FDB];
	s0 =	simm.s32 @p2 $0x1  }
0x17: {  	s4 =	simm.s32 $0x1BF5;
	[smem:$0x3FBA] =	sst s0  }
0x18: {  	s0 =	sld [smem:$0x3F9D];
	_ =	swait.ge [sflag:s4], $0x0  }
0x19: {  	s7 =	sld [smem:$0x3F9E]  }
0x1a: {  	s8 =	sadd.s32 $0xFFFFE003, lr  }
0x1b: {  	s9 =	sadd.s32 $0xFFFFFEF7, lr;
	s5 =	simm.s32 $0xFFFFFFFF;
	p2 =	slt.u32 s8, $0xFFFFF086  }
0x1c: {  	p1 =	slt.u32 s9, $0xF7A;
	s5 =	simm.s32 @!p2 $0x0  }
0x1d: {  	s5 =	simm.s32 @p1 $0x1;
	p0 =	seq.s32 s7, s2  }
0x1e: {  	s7 =	smul.u32 @!p0 $0xF7A, s2;
	p2 =	seq.s32 @!p0 s5, $0x0  }
0x1f: {  	s9 =	smul.u32 $0xF7A, s1;
	s8 =	simm.s32 @!p0 $0x1BF5;
	p2 =	por !p2, p0  }
0x20: {  	[sflag:s8] =	ssyncset.s32 @!p0 $0xFFFFF086;
	s6 =	sadd.s32 @!p0 s3, s7;
	s7 =	simm.s32 @!p0 $0x108  }
0x21: {  	s3 =	sadd.s32 s3, s9;
	s6 =	sadd.s32 @!p0 $0x88, s6;
	s7 =	simm.s32 @p2 $0x1082  }
0x22: {  	[simem:s7], [sflag:s8] =	dma.local @!p0 [hbm:s6], $0xF7A  }
0x23: {  	s9 =	sor.u32 $0xD0000000, s2;
	s6 =	simm.s32 $0x108;
	_ =	swait.ge @!p0 [sflag:s8], $0x0  }
0x24: {  	s3 =	sadd.s32 $0x88, s3;
	s6 =	simm.s32 @!p1 $0x1082;
	[sflag:s4] =	ssyncset.s32 $0xFFFFF086  }
0x25: {  	[simem:s6], [sflag:s4] =	dma.local [hbm:s3], $0xF7A  }
0x26: {  	[smem:$0x3F9E] =	sst s1;
	(tag) =	ssettag s2;
	_ =	strace s9  }
0x27: {  	s1 =	sld [smem:$0x3FAE]  }
0x28: {  	s2 =	sld [smem:$0x3FAF]  }
0x29: {  	s4 =	sld [smem:$0x3FB1]  }
0x2a: {  	p0 =	seq.s32 s5, $0x0;
	s5 =	sld [smem:$0x3FB2]  }
0x2b: {  	s6 =	sld [smem:$0x3FB3]  }
0x2c: {  	s7 =	sld [smem:$0x3FB4]  }
0x2d: {  	s3 =	simm.s32 $0x108;
	s8 =	sld [smem:$0x3FB5]  }
0x2e: {  	s3 =	simm.s32 @!p0 $0x1082;
	s9 =	sld [smem:$0x3FB6]  }
0x2f: {  	lr =	sadd.s32 s0, s3;
	s0 =	sld [smem:$0x3FAD]  }
0x30: {  	s3 =	sld [smem:$0x3FB0]  }
0x31: {  	[smem:$0x3FB9] =	sst s10  }
0x32: {  	s10 =	sld [smem:$0x3FB7];
	_ =	sdelay $0x3  }
0x33: {  	p0 =	seq.s32 s10, $0x1;
	s10 =	sld [smem:$0x3FB9];
	_ =	sdelay $0x3  }
0x34: {  	[smem:$0x3FB9] =	sst s10  }
0x35: {  	s10 =	sld [smem:$0x3FB8];
	_ =	sdelay $0x3  }
0x36: {  	p1 =	seq.s32 s10, $0x1;
	s10 =	sld [smem:$0x3FB9];
	_ =	sdelay $0x3  }
0x37: {  	[smem:$0x3FB9] =	sst s10  }
0x38: {  	s10 =	sld [smem:$0x3FBA]  }
0x39: {  	_ = 	snop;
	(pc) =	sbr.ind lr, $3  }
0x3a: {  	_ = 	snop  }
0x3b: {  	_ = 	snop  }
0x3c: {  	p2 =	seq.s32 s10, $0x1;
	s10 =	sld [smem:$0x3FB9]  }
0x3d: {  	_ =	shalt  }
0x3e: {  	_ =	shalt  }
0x3f: {  	_ =	shalt  }
0x40: {  	_ =	shalt  }
0x41: {  	_ =	shalt  }
0x42: {  	_ =	shalt  }
0x43: {  	_ =	shalt  }
0x44: {  	_ =	shalt  }
0x45: {  	_ =	shalt  }
0x46: {  	_ =	shalt  }
0x47: {  	_ =	shalt  }
0x48: {  	_ =	shalt  }
0x49: {  	_ =	shalt  }
0x4a: {  	_ =	shalt  }
0x4b: {  	_ =	shalt  }
0x4c: {  	_ =	shalt  }
0x4d: {  	_ =	shalt  }
0x4e: {  	_ =	shalt  }
0x4f: {  	_ =	shalt  }
0x50: {  	_ =	shalt  }
0x51: {  	_ =	shalt  }
0x52: {  	_ =	shalt  }
0x53: {  	_ =	shalt  }
0x54: {  	_ =	shalt  }
0x55: {  	_ =	shalt  }
0x56: {  	_ =	shalt  }
0x57: {  	_ =	shalt  }
0x58: {  	_ =	shalt  }
0x59: {  	_ =	shalt  }
0x5a: {  	_ =	shalt  }
0x5b: {  	_ =	shalt  }
0x5c: {  	_ =	shalt  }
0x5d: {  	_ =	shalt  }
0x5e: {  	_ =	shalt  }
0x5f: {  	_ =	shalt  }
0x60: {  	_ =	shalt  }
0x61: {  	_ =	shalt  }
0x62: {  	_ =	shalt  }
0x63: {  	_ =	shalt  }
0x64: {  	_ =	shalt  }
0x65: {  	_ =	shalt  }
0x66: {  	_ =	shalt  }
0x67: {  	_ =	shalt  }
0x68: {  	_ =	shalt  }
0x69: {  	_ =	shalt  }
0x6a: {  	_ =	shalt  }
0x6b: {  	_ =	shalt  }
0x6c: {  	_ =	shalt  }
0x6d: {  	_ =	shalt  }
0x6e: {  	_ =	shalt  }
0x6f: {  	_ =	shalt  }
0x70: {  	_ =	shalt  }
0x71: {  	_ =	shalt  }
0x72: {  	_ =	shalt  }
0x73: {  	_ =	shalt  }
0x74: {  	_ =	shalt  }
0x75: {  	_ =	shalt  }
0x76: {  	_ =	shalt  }
0x77: {  	_ =	shalt  }
0x78: {  	_ =	shalt  }
0x79: {  	_ =	shalt  }
0x7a: {  	_ =	shalt  }
0x7b: {  	_ =	shalt  }
0x7c: {  	_ =	shalt  }
0x7d: {  	_ =	shalt  }
0x7e: {  	_ =	shalt  }
0x7f: {  	_ =	shalt  }
0x80: {  	_ =	shalt  }
0x81: {  	_ =	shalt  }
0x82: {  	_ =	shalt  }
0x83: {  	_ =	shalt  }
0x84: {  	_ =	shalt  }
0x85: {  	_ =	shalt  }
0x86: {  	_ =	shalt  }
0x87: {  	_ =	shalt  }
.Lfunc_end0:
.L_simem_size_0:
called_computation.1_lowered:
.L_overlay_start_0:
0x88: {  	s2 =	sld [smem:$0x3FD9]  }
0x89: {  	s3 =	sld [smem:$0x3FFE];
	_ =	sdelay $0x1  }
0x8a: {  	s1 =	srdreg.scid  }
0x8b: {  	s0 =	sand.u32 $0x1, s1  }
0x8c: {  	s17 =	sshll.u32 s0, $0xA;
	s2 =	sadd.s32 s3, s2  }
0x8d: {  	s2 =	sadd.s32 s2, s17  }
0x8e: {  	[smem:$0x3FC5] =	sst s2  }
0x8f: {  	_ = 	snop  }
0x90: {  	s2 =	sld [smem:$0x3FC9]  }
0x91: {  	s18 =	sld [smem:$0x3FD0];
	(tm) =	ssettm $0x1  }
0x92: {  	s4 =	sld [smem:$0x3FFB];
	_ =	sdelay $0x3  }
0x93: {  	_ =	strace s4  }
0x94: {  	s4 =	sld [smem:$0x3FFC];
	_ =	sdelay $0x3  }
0x95: {  	_ =	strace s4  }
0x96: {  	s4 =	sld [smem:$0x3FFD];
	_ =	sdelay $0x3  }
0x97: {  	_ =	strace s4  }
0x98: {  	_ =	strace $0x8FFFFFFF  }
0x99: {  	s19 =	sld [smem:$0x3FDB];
	_ =	sdelay $0x1  }
0x9a: {  	s5 =	simm.s32 $_scs_section_size  }
0x9b: {  	s6 =	simm.s32 $_size__tile_overlayer_lowered;
	s7 =	simm.s32 $_tile_overlayer_lowered  }
0x9c: {  	s22 =	simm.s32 $0x1BFF;
	s21 =	sshll.u32 s7, $0x1;
	s4 =	sadd.s32 s5, s19  }
0x9d: {  	s8 =	simm.s32 $0x0;
	s20 =	sshll.u32 s6, $0x1;
	s6 =	sadd.s32 s21, s4  }
0x9e: {  	[timem:s8], [sflag:s22] =	dma.local [hbm:s6], s20  }
0x9f: {  	_ =	swait.ge [sflag:s22], s20  }
0xa0: {  	s5 =	ssub.s32 $0x0, s20;
	[sflag:s22] =	ssyncset.done $0x0  }
0xa1: {  	[sflag:s22] =	ssyncadd.s32 s5;
	_ =	sdelay $0x1  }
0xa2: {  	s23 =	simm.s32 $0x1B8B  }
0xa3: {  	_ =	swait.ge [sflag:s23], $0x1  }
0xa4: {  	[sflag:s23] =	ssyncset.done $0x0  }
0xa5: {  	s25 =	simm.s32 $0x1B8E;
	s24 =	sld [smem:$0x3FFE];
	[sflag:s23] =	ssyncadd.s32 $0xFFFFFFFF  }
0xa6: {  	s26 =	simm.s32 $execute0_lowered;
	[smem:$0x3FD2] =	sst s25  }
0xa7: {  	s6 =	sshll.u32 s26, $0x1;
	_ =	strace $0x80000046;
	[dreg:$0x1] =	wrdreg $0xFFFFFFFF  }
0xa8: {  	s28 =	simm.s32 $_size_execute0_lowered;
	s4 =	sadd.s32 s4, s6;
	[dreg:$0x0] =	wrdreg $0x0  }
0xa9: {  	s6 =	sshll.u32 s28, $0x1;
	[dreg:$0x2] =	wrdreg s4  }
0xaa: {  	[dreg:$0x3] =	wrdreg s6  }
0xab: {  	[dreg:$0x4] =	wrdreg $0xC0  }
0xac: {  	_ =	task [dreg:s8], $0x5FFFF  }
0xad: {  	[dreg:$0x1] =	wrdreg $0xFFFFFFFF  }
0xae: {  	[dreg:$0x0] =	wrdreg $0x60  }
0xaf: {  	[dreg:$0x2] =	wrdreg s24  }
0xb0: {  	[dreg:$0x3] =	wrdreg s2  }
0xb1: {  	[dreg:$0x4] =	wrdreg s18  }
0xb2: {  	[dreg:$0x5] =	wrdreg $0x9  }
0xb3: {  	_ =	task.clear_ibuf [dreg:s8], $0x6FFFF;
	_ =	strace $0x90000046  }
0xb4: {  	s29 =	simm.s32 $0x9;
	_ =	strace $0x80000048  }
0xb5: {  	_ =	swait.ge [sflag:s29], $0x1  }
0xb6: {  	[sflag:s29] =	ssyncadd.s32 $0xFFFFFFFF  }
0xb7: {  	_ =	strace $0x90000048  }
0xb8: {  	_ =	sfence  }
0xb9: {  	s30 =	sld [smem:$0x0];
	_ =	sdelay $0x2  }
0xba: {  	s31 =	sshll.u32 s1, $0xD;
	s1 =	sshrl.u32 s1, $0x2  }
0xbb: {  	s3 =	sand.u32 $0x4000, s31;
	s1 =	sadd.s32 s1, s30  }
0xbc: {  	s0 =	sor.u32 s3, s0;
	s1 =	sshll.u32 s1, $0x11  }
0xbd: {  	s0 =	sor.u32 s1, s0  }
0xbe: {  	s0 =	sadd.s32 $0x8F2B, s0  }
0xbf: {  	[sflag:s0] =	ssyncadd.remote.s32 $0x1  }
0xc0: {  	_ =	sfence.sel $0xFFFF  }
0xc1: {  	[dreg:$0x0] =	wrdreg $0xFFFFFFFF;
	(pc) =	sbr.abs _section_cstart, $3  }
0xc2: {  	[dreg:$0x1] =	wrdreg $0xFFFFFFFF  }
0xc3: {  	_ =	task.clear_ibuf [dreg:s8], $0x2FFFF;
	_ =	strace $0x9FFFFFFF  }
0xc4: {  	(tm) =	ssettm $0x7FFFFFFF  }
0xc5: {  	_ =	shalt  }
tec
execute0_lowered:
.L_overlay_start_1:
0x0: {  	(tag) =	ssettag $0x1  }
0x1: {  	s0 =	rddreg [dreg:$0x0]  }
0x2: {  	s1 =	srdreg.scid;
	s2 =	stileid.u32  }
0x3: {  	s8 =	rddreg [dreg:$0x1];
	s13 =	simm.s32 $0x5;
	s15 =	simm.s32 $0x80  }
0x4: {  	s16 =	simm.s32 $0x9600;
	s17 =	simm.s32 $0x48;
	s18 =	simm.s32 $0xB600  }
0x5: {  	s20 =	simm.s32 $0xC800;
	s22 =	simm.s32 $0xE800;
	s23 =	simm.s32 $0x1  }
0x6: {  	s28 =	simm.s32 $0x2;
	s1 =	sand.u32 $0x1, s1;
	s3 =	sshll.u32 s2, $0x1  }
0x7: {  	s31 =	simm.s32 $0x12C00;
	s14 =	simm.s32 $0x0;
	s5 =	sor.u32 s1, s3  }
0x8: {  	s2 =	rddreg [dreg:$0x2];
	s6 =	sadd.s32 $0xA00, s0;
	s4 =	smul.u32 $0x6400, s5  }
0x9: {  	s3 =	simm.s32 $0x0;
	s1 =	ssub.s32 $0x2, s1;
	s7 =	smul.u32 $0x32000, s5  }
0xa: {  	[smem:$0x7FF] =	sst s3;
	s9 =	sshrl.u32 s1, $0x1;
	s10 =	smul.u32 $0x190000, s5  }
0xb: {  	s5 =	sadd.s32 $0xF42E00, s0;
	s0 =	simm.s32 $0x3;
	_ =	strace $0x80000047  }
0xc: {  	s26 =	ssub.s32 s1, s9;
	s1 =	simm.s32 $0x4;
	s29 =	sshrl.u32 s4, $0x3  }
0xd: {  	s7 =	sadd.s32 s2, s7;
	s10 =	sshrl.u32 s10, $0x3;
	s12 =	smax.u32 s26, $0x1  }
0xe: {  	s26 =	simm.s32 $0xFA00;
	s8 =	sadd.s32 s8, s29;
	s30 =	sadd.s32 s2, s10  }
0xf: {  	s9 =	sadd.s32 $0x640, s7;
	s10 =	sadd.s32 $0x31380, s30;
	s11 =	sadd.s32 $0x319C0, s30  }
.LBB2_1:
0x10: {  	[tilespmem:s3], [sflag:$0x5] =	stream.linear.gather [hbm4b:s8+s3], $0x6400, $0x38;
	[tilespmem:$0x15E00] =	vst v63  }
0x11: {  	_ =	swait.ge [sflag:s13], $0x6400  }
0x12: {  	[sflag:s13] =	ssyncset.done $0x0  }
0x13: {  	s19 =	simm.s32 $0x6400;
	[sflag:s13] =	ssyncadd.s32 $0xFFFF9C00  }
0x14: {  	[tilespmem:s19], [sflag:$0x5] =	stream.linear.gather [hbm4b:s6+s3], $0x3200, $0x38;
	[tilespmem:$0x15E00] =	vst v63  }
0x15: {  	_ =	swait.ge [sflag:s13], $0x3200  }
0x16: {  	[sflag:s13] =	ssyncset.done $0x0  }
0x17: {  	[sflag:s13] =	ssyncadd.s32 $0xFFFFCE00  }
0x18: {  	[tilespmem:s16], [sflag:$0x1] =	stream.indirect.gather [hbm4b:s5+s15], $0x40, s3, s15, $0xb8;
	[tilespmem:$0x15E00] =	vst v63  }
0x19: {  	_ = 	snop  }
0x1a: {  	[tilespmem:s18], [sflag:$0x1] =	stream.indirect.gather [hbm4b:s5+s17], $0x40, s15, s17, $0xb8;
	[tilespmem:$0x15E00] =	vst v63  }
0x1b: {  	s25 =	simm.s32 $0xC8  }
0x1c: {  	[tilespmem:s20], [sflag:$0x2] =	stream.indirect.gather [hbm4b:s5+s15], $0x40, s25, s15, $0xb8;
	[tilespmem:$0x15E00] =	vst v63  }
0x1d: {  	s30 =	simm.s32 $0x148  }
0x1e: {  	[tilespmem:s22], [sflag:$0x2] =	stream.indirect.gather [hbm4b:s5+s17], $0x40, s30, s17, $0xb8;
	[tilespmem:$0x15E00] =	vst v63  }
0x1f: {  	_ =	swait.ge [sflag:s23], $0x2000  }
0x20: {  	[sflag:s23] =	ssyncset.done $0x0  }
0x21: {  	[sflag:s23] =	ssyncadd.s32 $0xFFFFE000  }
0x22: {  	_ =	swait.ge [sflag:s23], $0x1200  }
0x23: {  	[sflag:s23] =	ssyncset.done $0x0  }
0x24: {  	s25 =	simm.s32 $0x9640;
	[sflag:s23] =	ssyncadd.s32 $0xFFFFEE00  }
0x25: {  	s19 =	simm.s32 $0x6440;
	v0 =	vld [tilespmem:s25+$0xFFFFFFC0]  }
0x26: {  	v1 =	vld [tilespmem:s19+$0xFFFFFFC0];
	_ =	sdelay $0x4  }
0x27: {  	v0 =	vadd.f32 v1, v0  }
0x28: {  	s21 =	simm.s32 $0xFA40  }
0x29: {  	[tilespmem:s21+$0xFFFFFFC0] =	vst v0  }
0x2a: {  	v0 =	vld [tilespmem:s19+$0xFFFFFFD0]  }
0x2b: {  	v1 =	vld [tilespmem:s25+$0xFFFFFFD0];
	_ =	sdelay $0x4  }
0x2c: {  	v0 =	vadd.f32 v0, v1;
	_ =	sdelay $0x1  }
0x2d: {  	[tilespmem:s21+$0xFFFFFFD0] =	vst v0  }
0x2e: {  	v0 =	vld [tilespmem:s25+$0xFFFFFFE0]  }
0x2f: {  	v1 =	vld [tilespmem:s19+$0xFFFFFFE0];
	_ =	sdelay $0x4  }
0x30: {  	v0 =	vadd.f32 v1, v0;
	_ =	sdelay $0x1  }
0x31: {  	[tilespmem:s21+$0xFFFFFFE0] =	vst v0  }
0x32: {  	v0 =	vld [tilespmem:s25+$0xFFFFFFF0]  }
0x33: {  	v1 =	vld [tilespmem:s19+$0xFFFFFFF0];
	_ =	sdelay $0x4  }
0x34: {  	v0 =	vadd.f32 v1, v0;
	_ =	sdelay $0x1  }
0x35: {  	[tilespmem:s21+$0xFFFFFFF0] =	vst v0  }
0x36: {  	v0 =	vld [tilespmem:s25+$0x0]  }
0x37: {  	v1 =	vld [tilespmem:s19+$0x0];
	_ =	sdelay $0x4  }
0x38: {  	v0 =	vadd.f32 v1, v0;
	_ =	sdelay $0x1  }
0x39: {  	[tilespmem:s21+$0x0] =	vst v0  }
0x3a: {  	v0 =	vld [tilespmem:s25+$0x10]  }
0x3b: {  	v1 =	vld [tilespmem:s19+$0x10];
	_ =	sdelay $0x4  }
0x3c: {  	v0 =	vadd.f32 v1, v0;
	_ =	sdelay $0x1  }
0x3d: {  	[tilespmem:s21+$0x10] =	vst v0  }
0x3e: {  	v0 =	vld [tilespmem:s25+$0x20]  }
0x3f: {  	v1 =	vld [tilespmem:s19+$0x20];
	_ =	sdelay $0x4  }
0x40: {  	v0 =	vadd.f32 v1, v0;
	_ =	sdelay $0x1  }
0x41: {  	[tilespmem:s21+$0x20] =	vst v0  }
0x42: {  	s24 =	simm.s32 $0x0;
	s29 =	simm.s32 $0x96C0;
	v0 =	vld [tilespmem:s25+$0x30];
	s25 =	simm.s32 $0xFA40  }
.LBB2_2:
0x43: {  	s24 =	sadd.s32 $0x2, s24;
	v1 =	vld [tilespmem:s19+$0x30];
	s21 =	sadd.s32 $0x80, s21;
	s19 =	sadd.s32 $0x80, s19  }
0x44: {  	p0 =	slt.u32 s24, $0xC6;
	_ =	sdelay $0x3  }
0x45: {  	v0 =	vadd.f32 v1, v0;
	_ =	sdelay $0x1  }
0x46: {  	[tilespmem:s25+$0x30] =	vst v0;
	s25 =	smov.u32 s21  }
0x47: {  	v0 =	vld [tilespmem:s29+$0xFFFFFFC0]  }
0x48: {  	v1 =	vld [tilespmem:s19+$0xFFFFFFC0];
	_ =	sdelay $0x4  }
0x49: {  	v0 =	vadd.f32 v1, v0;
	_ =	sdelay $0x1  }
0x4a: {  	[tilespmem:s21+$0xFFFFFFC0] =	vst v0  }
0x4b: {  	v0 =	vld [tilespmem:s19+$0xFFFFFFD0]  }
0x4c: {  	v1 =	vld [tilespmem:s29+$0xFFFFFFD0];
	_ =	sdelay $0x4  }
0x4d: {  	v0 =	vadd.f32 v0, v1;
	_ =	sdelay $0x1  }
0x4e: {  	[tilespmem:s21+$0xFFFFFFD0] =	vst v0  }
0x4f: {  	v0 =	vld [tilespmem:s29+$0xFFFFFFE0]  }
0x50: {  	v1 =	vld [tilespmem:s19+$0xFFFFFFE0];
	_ =	sdelay $0x4  }
0x51: {  	v0 =	vadd.f32 v1, v0;
	_ =	sdelay $0x1  }
0x52: {  	[tilespmem:s21+$0xFFFFFFE0] =	vst v0  }
0x53: {  	v0 =	vld [tilespmem:s29+$0xFFFFFFF0]  }
0x54: {  	v1 =	vld [tilespmem:s19+$0xFFFFFFF0];
	_ =	sdelay $0x4  }
0x55: {  	v0 =	vadd.f32 v1, v0;
	_ =	sdelay $0x1  }
0x56: {  	[tilespmem:s21+$0xFFFFFFF0] =	vst v0  }
0x57: {  	v0 =	vld [tilespmem:s29+$0x0]  }
0x58: {  	v1 =	vld [tilespmem:s19+$0x0];
	_ =	sdelay $0x4  }
0x59: {  	v0 =	vadd.f32 v1, v0;
	_ =	sdelay $0x1  }
0x5a: {  	[tilespmem:s21+$0x0] =	vst v0  }
0x5b: {  	v0 =	vld [tilespmem:s29+$0x10]  }
0x5c: {  	v1 =	vld [tilespmem:s19+$0x10];
	_ =	sdelay $0x4  }
0x5d: {  	v0 =	vadd.f32 v1, v0;
	_ =	sdelay $0x1  }
0x5e: {  	[tilespmem:s21+$0x10] =	vst v0  }
0x5f: {  	v0 =	vld [tilespmem:s29+$0x20]  }
0x60: {  	v1 =	vld [tilespmem:s19+$0x20];
	_ =	sdelay $0x3  }
.Ltmp0:
0x61: {  	(pc) =	sbr.rel @p0 .LBB2_2-.Ltmp0, $3  }
0x62: {  	v0 =	vadd.f32 v1, v0;
	_ =	sdelay $0x1  }
0x63: {  	[tilespmem:s21+$0x20] =	vst v0  }
0x64: {  	v0 =	vld [tilespmem:s29+$0x30];
	s29 =	sadd.s32 $0x80, s29  }
0x65: {  	v1 =	vld [tilespmem:s19+$0x30];
	_ =	sdelay $0x4  }
0x66: {  	v0 =	vadd.f32 v1, v0;
	_ =	sdelay $0x1  }
0x67: {  	s24 =	simm.s32 $0x190;
	[tilespmem:s25+$0x30] =	vst v0  }
0x68: {  	[tilespmem:s16], [sflag:$0x1] =	stream.indirect.gather [hbm4b:s5+s15], $0x40, s24, s15, $0xb8;
	[tilespmem:$0x15E00] =	vst v63  }
0x69: {  	s25 =	simm.s32 $0x210  }
0x6a: {  	[tilespmem:s18], [sflag:$0x1] =	stream.indirect.gather [hbm4b:s5+s17], $0x40, s25, s17, $0xb8;
	[tilespmem:$0x15E00] =	vst v63  }
0x6b: {  	_ = 	snop  }
0x6c: {  	[hbm4b:s7+s3] =	stream.linear.scatter [tilespmem:s26], [sflag:$0x3], $0x3200, $0x38;
	[tilespmem:$0x15E00] =	vst v63  }
0x6d: {  	_ =	swait.ge [sflag:s28], $0x2000  }
0x6e: {  	[sflag:s28] =	ssyncset.done $0x0  }
0x6f: {  	[sflag:s28] =	ssyncadd.s32 $0xFFFFE000  }
0x70: {  	_ =	swait.ge [sflag:s28], $0x1200  }
0x71: {  	[sflag:s28] =	ssyncset.done $0x0  }
0x72: {  	s30 =	simm.s32 $0xC840;
	[sflag:s28] =	ssyncadd.s32 $0xFFFFEE00  }
0x73: {  	s19 =	simm.s32 $0x6440;
	v0 =	vld [tilespmem:s30+$0xFFFFFFC0]  }
0x74: {  	v1 =	vld [tilespmem:s19+$0xFFFFFFC0];
	_ =	sdelay $0x4  }
0x75: {  	v0 =	vadd.f32 v1, v0  }
0x76: {  	s21 =	simm.s32 $0x12C40  }
0x77: {  	[tilespmem:s21+$0xFFFFFFC0] =	vst v0  }
0x78: {  	v0 =	vld [tilespmem:s19+$0xFFFFFFD0]  }
0x79: {  	v1 =	vld [tilespmem:s30+$0xFFFFFFD0];
	_ =	sdelay $0x4  }
0x7a: {  	v0 =	vadd.f32 v0, v1;
	_ =	sdelay $0x1  }
0x7b: {  	[tilespmem:s21+$0xFFFFFFD0] =	vst v0  }
0x7c: {  	v0 =	vld [tilespmem:s30+$0xFFFFFFE0]  }
0x7d: {  	v1 =	vld [tilespmem:s19+$0xFFFFFFE0];
	_ =	sdelay $0x4  }
0x7e: {  	v0 =	vadd.f32 v1, v0;
	_ =	sdelay $0x1  }
0x7f: {  	[tilespmem:s21+$0xFFFFFFE0] =	vst v0  }
0x80: {  	v0 =	vld [tilespmem:s30+$0xFFFFFFF0]  }
0x81: {  	v1 =	vld [tilespmem:s19+$0xFFFFFFF0];
	_ =	sdelay $0x4  }
0x82: {  	v0 =	vadd.f32 v1, v0;
	_ =	sdelay $0x1  }
0x83: {  	[tilespmem:s21+$0xFFFFFFF0] =	vst v0  }
0x84: {  	v0 =	vld [tilespmem:s30+$0x0]  }
0x85: {  	v1 =	vld [tilespmem:s19+$0x0];
	_ =	sdelay $0x4  }
0x86: {  	v0 =	vadd.f32 v1, v0;
	_ =	sdelay $0x1  }
0x87: {  	[tilespmem:s21+$0x0] =	vst v0  }
0x88: {  	v0 =	vld [tilespmem:s30+$0x10]  }
0x89: {  	v1 =	vld [tilespmem:s19+$0x10];
	_ =	sdelay $0x4  }
0x8a: {  	v0 =	vadd.f32 v1, v0;
	_ =	sdelay $0x1  }
0x8b: {  	[tilespmem:s21+$0x10] =	vst v0  }
0x8c: {  	v0 =	vld [tilespmem:s30+$0x20]  }
0x8d: {  	v1 =	vld [tilespmem:s19+$0x20];
	_ =	sdelay $0x4  }
0x8e: {  	v0 =	vadd.f32 v1, v0;
	_ =	sdelay $0x1  }
0x8f: {  	[tilespmem:s21+$0x20] =	vst v0  }
0x90: {  	s29 =	simm.s32 $0xC8C0;
	s24 =	simm.s32 $0x0;
	s25 =	simm.s32 $0x12C40;
	v0 =	vld [tilespmem:s30+$0x30]  }
.LBB2_4:
0x91: {  	s24 =	sadd.s32 $0x2, s24;
	v1 =	vld [tilespmem:s19+$0x30];
	s21 =	sadd.s32 $0x80, s21;
	s19 =	sadd.s32 $0x80, s19  }
0x92: {  	p0 =	slt.u32 s24, $0xC6;
	_ =	sdelay $0x3  }
0x93: {  	v0 =	vadd.f32 v1, v0;
	_ =	sdelay $0x1  }
0x94: {  	[tilespmem:s25+$0x30] =	vst v0;
	s25 =	smov.u32 s21  }
0x95: {  	v0 =	vld [tilespmem:s29+$0xFFFFFFC0]  }
0x96: {  	v1 =	vld [tilespmem:s19+$0xFFFFFFC0];
	_ =	sdelay $0x4  }
0x97: {  	v0 =	vadd.f32 v1, v0;
	_ =	sdelay $0x1  }
0x98: {  	[tilespmem:s21+$0xFFFFFFC0] =	vst v0  }
0x99: {  	v0 =	vld [tilespmem:s19+$0xFFFFFFD0]  }
0x9a: {  	v1 =	vld [tilespmem:s29+$0xFFFFFFD0];
	_ =	sdelay $0x4  }
0x9b: {  	v0 =	vadd.f32 v0, v1;
	_ =	sdelay $0x1  }
0x9c: {  	[tilespmem:s21+$0xFFFFFFD0] =	vst v0  }
0x9d: {  	v0 =	vld [tilespmem:s29+$0xFFFFFFE0]  }
0x9e: {  	v1 =	vld [tilespmem:s19+$0xFFFFFFE0];
	_ =	sdelay $0x4  }
0x9f: {  	v0 =	vadd.f32 v1, v0;
	_ =	sdelay $0x1  }
0xa0: {  	[tilespmem:s21+$0xFFFFFFE0] =	vst v0  }
0xa1: {  	v0 =	vld [tilespmem:s29+$0xFFFFFFF0]  }
0xa2: {  	v1 =	vld [tilespmem:s19+$0xFFFFFFF0];
	_ =	sdelay $0x4  }
0xa3: {  	v0 =	vadd.f32 v1, v0;
	_ =	sdelay $0x1  }
0xa4: {  	[tilespmem:s21+$0xFFFFFFF0] =	vst v0  }
0xa5: {  	v0 =	vld [tilespmem:s29+$0x0]  }
0xa6: {  	v1 =	vld [tilespmem:s19+$0x0];
	_ =	sdelay $0x4  }
0xa7: {  	v0 =	vadd.f32 v1, v0;
	_ =	sdelay $0x1  }
0xa8: {  	[tilespmem:s21+$0x0] =	vst v0  }
0xa9: {  	v0 =	vld [tilespmem:s29+$0x10]  }
0xaa: {  	v1 =	vld [tilespmem:s19+$0x10];
	_ =	sdelay $0x4  }
0xab: {  	v0 =	vadd.f32 v1, v0;
	_ =	sdelay $0x1  }
0xac: {  	[tilespmem:s21+$0x10] =	vst v0  }
0xad: {  	v0 =	vld [tilespmem:s29+$0x20]  }
0xae: {  	v1 =	vld [tilespmem:s19+$0x20];
	_ =	sdelay $0x3  }
.Ltmp1:
0xaf: {  	(pc) =	sbr.rel @p0 .LBB2_4-.Ltmp1, $3  }
0xb0: {  	v0 =	vadd.f32 v1, v0;
	_ =	sdelay $0x1  }
0xb1: {  	[tilespmem:s21+$0x20] =	vst v0  }
0xb2: {  	v0 =	vld [tilespmem:s29+$0x30];
	s29 =	sadd.s32 $0x80, s29  }
0xb3: {  	v1 =	vld [tilespmem:s19+$0x30];
	_ =	sdelay $0x4  }
0xb4: {  	v0 =	vadd.f32 v1, v0;
	_ =	sdelay $0x1  }
0xb5: {  	s29 =	simm.s32 $0x258;
	[tilespmem:s25+$0x30] =	vst v0  }
0xb6: {  	[tilespmem:s20], [sflag:$0x2] =	stream.indirect.gather [hbm4b:s5+s15], $0x40, s29, s15, $0xb8;
	[tilespmem:$0x15E00] =	vst v63  }
.Ltmp2:
0xb7: {  	_ = 	snop;
	(pc) =	sbr.rel .LBB2_6-.Ltmp2, $4  }
0xb8: {  	s30 =	simm.s32 $0x2D8  }
0xb9: {  	[tilespmem:s22], [sflag:$0x2] =	stream.indirect.gather [hbm4b:s5+s17], $0x40, s30, s17, $0xb8;
	[tilespmem:$0x15E00] =	vst v63  }
0xba: {  	s19 =	simm.s32 $0x2  }
0xbb: {  	[hbm4b:s9+s3] =	stream.linear.scatter [tilespmem:s31], [sflag:$0x4], $0x3200, $0x38;
	[tilespmem:$0x15E00] =	vst v63  }
.LBB2_9:
0xbc: {  	v1 =	vld [tilespmem:s21+$0x30];
	_ =	sdelay $0x3  }
0xbd: {  	s29 =	smul.u32 $0xC8, s19  }
0xbe: {  	v0 =	vadd.f32 v1, v0  }
0xbf: {  	s21 =	sadd.s32 s4, s29  }
0xc0: {  	s24 =	sadd.s32 $0x190, s29;
	s21 =	sshll.u32 s21, $0x3;
	[tilespmem:s25+$0x30] =	vst v0  }
0xc1: {  	[tilespmem:s16], [sflag:$0x1] =	stream.indirect.gather [hbm4b:s5+s15], $0x40, s24, s15, $0xb8;
	[tilespmem:$0x15E00] =	vst v63  }
0xc2: {  	s30 =	sadd.s32 $0x210, s29;
	s21 =	sand.u32 $0x1FFFFF80, s21  }
0xc3: {  	[tilespmem:s18], [sflag:$0x1] =	stream.indirect.gather [hbm4b:s5+s17], $0x40, s30, s17, $0xb8;
	[tilespmem:$0x15E00] =	vst v63  }
0xc4: {  	s21 =	sadd.s32 s2, s21  }
0xc5: {  	[hbm4b:s21+s3] =	stream.linear.scatter [tilespmem:s26], [sflag:$0x3], $0x3200, $0x38;
	[tilespmem:$0x15E00] =	vst v63  }
.LBB2_13:
0xc6: {  	s19 =	sadd.s32 $0x1, s19  }
0xc7: {  	p0 =	sne.s32 s19, $0x7E  }
.Ltmp3:
0xc8: {  	_ = 	snop;
	(pc) =	sbr.rel @!p0 .LBB2_14-.Ltmp3, $1  }
0xc9: {  	_ =	sdelay $0x3  }
.LBB2_6:
0xca: {  	s21 =	sand.u32 $0x1, s19  }
0xcb: {  	p0 =	seq.s32 s21, $0x1  }
.Ltmp4:
0xcc: {  	_ = 	snop;
	(pc) =	sbr.rel @!p0 .LBB2_7-.Ltmp4, $1  }
0xcd: {  	_ =	sdelay $0x3  }
0xce: {  	_ =	swait.ge [sflag:s1], $0x3200  }
0xcf: {  	[sflag:s1] =	ssyncset.done $0x0  }
0xd0: {  	[sflag:s1] =	ssyncadd.s32 $0xFFFFCE00  }
0xd1: {  	_ =	swait.ge [sflag:s28], $0x2000  }
0xd2: {  	[sflag:s28] =	ssyncset.done $0x0  }
0xd3: {  	[sflag:s28] =	ssyncadd.s32 $0xFFFFE000  }
0xd4: {  	_ =	swait.ge [sflag:s28], $0x1200  }
0xd5: {  	[sflag:s28] =	ssyncset.done $0x0  }
0xd6: {  	s25 =	simm.s32 $0xC840;
	[sflag:s28] =	ssyncadd.s32 $0xFFFFEE00  }
0xd7: {  	s21 =	simm.s32 $0x6440;
	v0 =	vld [tilespmem:s25+$0xFFFFFFC0]  }
0xd8: {  	v1 =	vld [tilespmem:s21+$0xFFFFFFC0];
	_ =	sdelay $0x4  }
0xd9: {  	v0 =	vadd.f32 v1, v0  }
0xda: {  	s24 =	simm.s32 $0x12C40  }
0xdb: {  	[tilespmem:s24+$0xFFFFFFC0] =	vst v0  }
0xdc: {  	v0 =	vld [tilespmem:s21+$0xFFFFFFD0]  }
0xdd: {  	v1 =	vld [tilespmem:s25+$0xFFFFFFD0];
	_ =	sdelay $0x4  }
0xde: {  	v0 =	vadd.f32 v0, v1;
	_ =	sdelay $0x1  }
0xdf: {  	[tilespmem:s24+$0xFFFFFFD0] =	vst v0  }
0xe0: {  	v0 =	vld [tilespmem:s25+$0xFFFFFFE0]  }
0xe1: {  	v1 =	vld [tilespmem:s21+$0xFFFFFFE0];
	_ =	sdelay $0x4  }
0xe2: {  	v0 =	vadd.f32 v1, v0;
	_ =	sdelay $0x1  }
0xe3: {  	[tilespmem:s24+$0xFFFFFFE0] =	vst v0  }
0xe4: {  	v0 =	vld [tilespmem:s25+$0xFFFFFFF0]  }
0xe5: {  	v1 =	vld [tilespmem:s21+$0xFFFFFFF0];
	_ =	sdelay $0x4  }
0xe6: {  	v0 =	vadd.f32 v1, v0;
	_ =	sdelay $0x1  }
0xe7: {  	[tilespmem:s24+$0xFFFFFFF0] =	vst v0  }
0xe8: {  	v0 =	vld [tilespmem:s25+$0x0]  }
0xe9: {  	v1 =	vld [tilespmem:s21+$0x0];
	_ =	sdelay $0x4  }
0xea: {  	v0 =	vadd.f32 v1, v0;
	_ =	sdelay $0x1  }
0xeb: {  	[tilespmem:s24+$0x0] =	vst v0  }
0xec: {  	v0 =	vld [tilespmem:s25+$0x10]  }
0xed: {  	v1 =	vld [tilespmem:s21+$0x10];
	_ =	sdelay $0x4  }
0xee: {  	v0 =	vadd.f32 v1, v0;
	_ =	sdelay $0x1  }
0xef: {  	[tilespmem:s24+$0x10] =	vst v0  }
0xf0: {  	v0 =	vld [tilespmem:s25+$0x20]  }
0xf1: {  	v1 =	vld [tilespmem:s21+$0x20];
	_ =	sdelay $0x4  }
0xf2: {  	v0 =	vadd.f32 v1, v0;
	_ =	sdelay $0x1  }
0xf3: {  	[tilespmem:s24+$0x20] =	vst v0  }
0xf4: {  	s29 =	simm.s32 $0x0;
	s30 =	simm.s32 $0xC8C0;
	v0 =	vld [tilespmem:s25+$0x30];
	s25 =	simm.s32 $0x12C40  }
.LBB2_11:
0xf5: {  	s29 =	sadd.s32 $0x2, s29;
	v1 =	vld [tilespmem:s21+$0x30];
	s24 =	sadd.s32 $0x80, s24;
	s21 =	sadd.s32 $0x80, s21  }
0xf6: {  	p0 =	slt.u32 s29, $0xC6;
	_ =	sdelay $0x3  }
0xf7: {  	v0 =	vadd.f32 v1, v0;
	_ =	sdelay $0x1  }
0xf8: {  	[tilespmem:s25+$0x30] =	vst v0;
	s25 =	smov.u32 s24  }
0xf9: {  	v0 =	vld [tilespmem:s30+$0xFFFFFFC0]  }
0xfa: {  	v1 =	vld [tilespmem:s21+$0xFFFFFFC0];
	_ =	sdelay $0x4  }
0xfb: {  	v0 =	vadd.f32 v1, v0;
	_ =	sdelay $0x1  }
0xfc: {  	[tilespmem:s24+$0xFFFFFFC0] =	vst v0  }
0xfd: {  	v0 =	vld [tilespmem:s21+$0xFFFFFFD0]  }
0xfe: {  	v1 =	vld [tilespmem:s30+$0xFFFFFFD0];
	_ =	sdelay $0x4  }
0xff: {  	v0 =	vadd.f32 v0, v1;
	_ =	sdelay $0x1  }
0x100: {  	[tilespmem:s24+$0xFFFFFFD0] =	vst v0  }
0x101: {  	v0 =	vld [tilespmem:s30+$0xFFFFFFE0]  }
0x102: {  	v1 =	vld [tilespmem:s21+$0xFFFFFFE0];
	_ =	sdelay $0x4  }
0x103: {  	v0 =	vadd.f32 v1, v0;
	_ =	sdelay $0x1  }
0x104: {  	[tilespmem:s24+$0xFFFFFFE0] =	vst v0  }
0x105: {  	v0 =	vld [tilespmem:s30+$0xFFFFFFF0]  }
0x106: {  	v1 =	vld [tilespmem:s21+$0xFFFFFFF0];
	_ =	sdelay $0x4  }
0x107: {  	v0 =	vadd.f32 v1, v0;
	_ =	sdelay $0x1  }
0x108: {  	[tilespmem:s24+$0xFFFFFFF0] =	vst v0  }
0x109: {  	v0 =	vld [tilespmem:s30+$0x0]  }
0x10a: {  	v1 =	vld [tilespmem:s21+$0x0];
	_ =	sdelay $0x4  }
0x10b: {  	v0 =	vadd.f32 v1, v0;
	_ =	sdelay $0x1  }
0x10c: {  	[tilespmem:s24+$0x0] =	vst v0  }
0x10d: {  	v0 =	vld [tilespmem:s30+$0x10]  }
0x10e: {  	v1 =	vld [tilespmem:s21+$0x10];
	_ =	sdelay $0x4  }
0x10f: {  	v0 =	vadd.f32 v1, v0;
	_ =	sdelay $0x1  }
0x110: {  	[tilespmem:s24+$0x10] =	vst v0  }
0x111: {  	v0 =	vld [tilespmem:s30+$0x20]  }
0x112: {  	v1 =	vld [tilespmem:s21+$0x20];
	_ =	sdelay $0x3  }
.Ltmp5:
0x113: {  	(pc) =	sbr.rel @p0 .LBB2_11-.Ltmp5, $3  }
0x114: {  	v0 =	vadd.f32 v1, v0;
	_ =	sdelay $0x1  }
0x115: {  	[tilespmem:s24+$0x20] =	vst v0  }
0x116: {  	v0 =	vld [tilespmem:s30+$0x30];
	s30 =	sadd.s32 $0x80, s30  }
0x117: {  	v1 =	vld [tilespmem:s21+$0x30];
	_ =	sdelay $0x4  }
0x118: {  	s29 =	smul.u32 $0xC8, s19;
	v0 =	vadd.f32 v1, v0;
	_ =	sdelay $0x1  }
0x119: {  	s24 =	sadd.s32 $0x190, s29;
	s21 =	sadd.s32 s4, s29;
	[tilespmem:s25+$0x30] =	vst v0  }
0x11a: {  	[tilespmem:s20], [sflag:$0x2] =	stream.indirect.gather [hbm4b:s5+s15], $0x40, s24, s15, $0xb8;
	[tilespmem:$0x15E00] =	vst v63  }
.Ltmp6:
0x11b: {  	s21 =	sshll.u32 s21, $0x3;
	(pc) =	sbr.rel .LBB2_13-.Ltmp6, $4  }
0x11c: {  	s30 =	sadd.s32 $0x210, s29;
	s21 =	sand.u32 $0x1FFFFFC0, s21  }
0x11d: {  	[tilespmem:s22], [sflag:$0x2] =	stream.indirect.gather [hbm4b:s5+s17], $0x40, s30, s17, $0xb8;
	[tilespmem:$0x15E00] =	vst v63  }
0x11e: {  	s21 =	sadd.s32 s2, s21  }
0x11f: {  	[hbm4b:s21+s3] =	stream.linear.scatter [tilespmem:s31], [sflag:$0x4], $0x3200, $0x38;
	[tilespmem:$0x15E00] =	vst v63  }
.LBB2_7:
0x120: {  	_ =	swait.ge [sflag:s0], $0x3200  }
0x121: {  	[sflag:s0] =	ssyncset.done $0x0  }
0x122: {  	[sflag:s0] =	ssyncadd.s32 $0xFFFFCE00  }
0x123: {  	_ =	swait.ge [sflag:s23], $0x2000  }
0x124: {  	[sflag:s23] =	ssyncset.done $0x0  }
0x125: {  	[sflag:s23] =	ssyncadd.s32 $0xFFFFE000  }
0x126: {  	_ =	swait.ge [sflag:s23], $0x1200  }
0x127: {  	[sflag:s23] =	ssyncset.done $0x0  }
0x128: {  	s25 =	simm.s32 $0x9640;
	[sflag:s23] =	ssyncadd.s32 $0xFFFFEE00  }
0x129: {  	s21 =	simm.s32 $0x6440;
	v0 =	vld [tilespmem:s25+$0xFFFFFFC0]  }
0x12a: {  	v1 =	vld [tilespmem:s21+$0xFFFFFFC0];
	_ =	sdelay $0x4  }
0x12b: {  	v0 =	vadd.f32 v1, v0  }
0x12c: {  	s24 =	simm.s32 $0xFA40  }
0x12d: {  	[tilespmem:s24+$0xFFFFFFC0] =	vst v0  }
0x12e: {  	v0 =	vld [tilespmem:s21+$0xFFFFFFD0]  }
0x12f: {  	v1 =	vld [tilespmem:s25+$0xFFFFFFD0];
	_ =	sdelay $0x4  }
0x130: {  	v0 =	vadd.f32 v0, v1;
	_ =	sdelay $0x1  }
0x131: {  	[tilespmem:s24+$0xFFFFFFD0] =	vst v0  }
0x132: {  	v0 =	vld [tilespmem:s25+$0xFFFFFFE0]  }
0x133: {  	v1 =	vld [tilespmem:s21+$0xFFFFFFE0];
	_ =	sdelay $0x4  }
0x134: {  	v0 =	vadd.f32 v1, v0;
	_ =	sdelay $0x1  }
0x135: {  	[tilespmem:s24+$0xFFFFFFE0] =	vst v0  }
0x136: {  	v0 =	vld [tilespmem:s25+$0xFFFFFFF0]  }
0x137: {  	v1 =	vld [tilespmem:s21+$0xFFFFFFF0];
	_ =	sdelay $0x4  }
0x138: {  	v0 =	vadd.f32 v1, v0;
	_ =	sdelay $0x1  }
0x139: {  	[tilespmem:s24+$0xFFFFFFF0] =	vst v0  }
0x13a: {  	v0 =	vld [tilespmem:s25+$0x0]  }
0x13b: {  	v1 =	vld [tilespmem:s21+$0x0];
	_ =	sdelay $0x4  }
0x13c: {  	v0 =	vadd.f32 v1, v0;
	_ =	sdelay $0x1  }
0x13d: {  	[tilespmem:s24+$0x0] =	vst v0  }
0x13e: {  	v0 =	vld [tilespmem:s25+$0x10]  }
0x13f: {  	v1 =	vld [tilespmem:s21+$0x10];
	_ =	sdelay $0x4  }
0x140: {  	v0 =	vadd.f32 v1, v0;
	_ =	sdelay $0x1  }
0x141: {  	[tilespmem:s24+$0x10] =	vst v0  }
0x142: {  	v0 =	vld [tilespmem:s25+$0x20]  }
0x143: {  	v1 =	vld [tilespmem:s21+$0x20];
	_ =	sdelay $0x4  }
0x144: {  	v0 =	vadd.f32 v1, v0;
	_ =	sdelay $0x1  }
0x145: {  	[tilespmem:s24+$0x20] =	vst v0  }
0x146: {  	s29 =	simm.s32 $0x0;
	s30 =	simm.s32 $0x96C0;
	v0 =	vld [tilespmem:s25+$0x30];
	s25 =	simm.s32 $0xFA40  }
.LBB2_8:
0x147: {  	s29 =	sadd.s32 $0x2, s29;
	v1 =	vld [tilespmem:s21+$0x30];
	s24 =	sadd.s32 $0x80, s24;
	s21 =	sadd.s32 $0x80, s21  }
0x148: {  	p0 =	slt.u32 s29, $0xC6;
	_ =	sdelay $0x3  }
0x149: {  	v0 =	vadd.f32 v1, v0;
	_ =	sdelay $0x1  }
0x14a: {  	[tilespmem:s25+$0x30] =	vst v0;
	s25 =	smov.u32 s24  }
0x14b: {  	v0 =	vld [tilespmem:s30+$0xFFFFFFC0]  }
0x14c: {  	v1 =	vld [tilespmem:s21+$0xFFFFFFC0];
	_ =	sdelay $0x4  }
0x14d: {  	v0 =	vadd.f32 v1, v0;
	_ =	sdelay $0x1  }
0x14e: {  	[tilespmem:s24+$0xFFFFFFC0] =	vst v0  }
0x14f: {  	v0 =	vld [tilespmem:s21+$0xFFFFFFD0]  }
0x150: {  	v1 =	vld [tilespmem:s30+$0xFFFFFFD0];
	_ =	sdelay $0x4  }
0x151: {  	v0 =	vadd.f32 v0, v1;
	_ =	sdelay $0x1  }
0x152: {  	[tilespmem:s24+$0xFFFFFFD0] =	vst v0  }
0x153: {  	v0 =	vld [tilespmem:s30+$0xFFFFFFE0]  }
0x154: {  	v1 =	vld [tilespmem:s21+$0xFFFFFFE0];
	_ =	sdelay $0x4  }
0x155: {  	v0 =	vadd.f32 v1, v0;
	_ =	sdelay $0x1  }
0x156: {  	[tilespmem:s24+$0xFFFFFFE0] =	vst v0  }
0x157: {  	v0 =	vld [tilespmem:s30+$0xFFFFFFF0]  }
0x158: {  	v1 =	vld [tilespmem:s21+$0xFFFFFFF0];
	_ =	sdelay $0x4  }
0x159: {  	v0 =	vadd.f32 v1, v0;
	_ =	sdelay $0x1  }
0x15a: {  	[tilespmem:s24+$0xFFFFFFF0] =	vst v0  }
0x15b: {  	v0 =	vld [tilespmem:s30+$0x0]  }
0x15c: {  	v1 =	vld [tilespmem:s21+$0x0];
	_ =	sdelay $0x4  }
0x15d: {  	v0 =	vadd.f32 v1, v0;
	_ =	sdelay $0x1  }
0x15e: {  	[tilespmem:s24+$0x0] =	vst v0  }
0x15f: {  	v0 =	vld [tilespmem:s30+$0x10]  }
0x160: {  	v1 =	vld [tilespmem:s21+$0x10];
	_ =	sdelay $0x4  }
0x161: {  	v0 =	vadd.f32 v1, v0;
	_ =	sdelay $0x1  }
0x162: {  	[tilespmem:s24+$0x10] =	vst v0  }
0x163: {  	v0 =	vld [tilespmem:s30+$0x20]  }
0x164: {  	v1 =	vld [tilespmem:s21+$0x20];
	_ =	sdelay $0x3  }
.Ltmp7:
0x165: {  	(pc) =	sbr.rel @p0 .LBB2_8-.Ltmp7, $3  }
0x166: {  	v0 =	vadd.f32 v1, v0;
	_ =	sdelay $0x1  }
0x167: {  	[tilespmem:s24+$0x20] =	vst v0  }
0x168: {  	v0 =	vld [tilespmem:s30+$0x30];
	s30 =	sadd.s32 $0x80, s30  }
.Ltmp8:
0x169: {  	_ = 	snop;
	(pc) =	sbr.rel .LBB2_9-.Ltmp8, $1  }
0x16a: {  	_ =	sdelay $0x3  }
.LBB2_14:
0x16b: {  	_ =	swait.ge [sflag:s0], $0x3200  }
0x16c: {  	[sflag:s0] =	ssyncset.done $0x0  }
0x16d: {  	[sflag:s0] =	ssyncadd.s32 $0xFFFFCE00  }
0x16e: {  	_ =	swait.ge [sflag:s23], $0x2000  }
0x16f: {  	[sflag:s23] =	ssyncset.done $0x0  }
0x170: {  	[sflag:s23] =	ssyncadd.s32 $0xFFFFE000  }
0x171: {  	_ =	swait.ge [sflag:s23], $0x1200  }
0x172: {  	[sflag:s23] =	ssyncset.done $0x0  }
0x173: {  	s25 =	simm.s32 $0x9640;
	[sflag:s23] =	ssyncadd.s32 $0xFFFFEE00  }
0x174: {  	s19 =	simm.s32 $0x6440;
	v0 =	vld [tilespmem:s25+$0xFFFFFFC0]  }
0x175: {  	v1 =	vld [tilespmem:s19+$0xFFFFFFC0];
	_ =	sdelay $0x4  }
0x176: {  	v0 =	vadd.f32 v1, v0  }
0x177: {  	s21 =	simm.s32 $0xFA40  }
0x178: {  	[tilespmem:s21+$0xFFFFFFC0] =	vst v0  }
0x179: {  	v0 =	vld [tilespmem:s19+$0xFFFFFFD0]  }
0x17a: {  	v1 =	vld [tilespmem:s25+$0xFFFFFFD0];
	_ =	sdelay $0x4  }
0x17b: {  	v0 =	vadd.f32 v0, v1;
	_ =	sdelay $0x1  }
0x17c: {  	[tilespmem:s21+$0xFFFFFFD0] =	vst v0  }
0x17d: {  	v0 =	vld [tilespmem:s25+$0xFFFFFFE0]  }
0x17e: {  	v1 =	vld [tilespmem:s19+$0xFFFFFFE0];
	_ =	sdelay $0x4  }
0x17f: {  	v0 =	vadd.f32 v1, v0;
	_ =	sdelay $0x1  }
0x180: {  	[tilespmem:s21+$0xFFFFFFE0] =	vst v0  }
0x181: {  	v0 =	vld [tilespmem:s25+$0xFFFFFFF0]  }
0x182: {  	v1 =	vld [tilespmem:s19+$0xFFFFFFF0];
	_ =	sdelay $0x4  }
0x183: {  	v0 =	vadd.f32 v1, v0;
	_ =	sdelay $0x1  }
0x184: {  	[tilespmem:s21+$0xFFFFFFF0] =	vst v0  }
0x185: {  	v0 =	vld [tilespmem:s25+$0x0]  }
0x186: {  	v1 =	vld [tilespmem:s19+$0x0];
	_ =	sdelay $0x4  }
0x187: {  	v0 =	vadd.f32 v1, v0;
	_ =	sdelay $0x1  }
0x188: {  	[tilespmem:s21+$0x0] =	vst v0  }
0x189: {  	v0 =	vld [tilespmem:s25+$0x10]  }
0x18a: {  	v1 =	vld [tilespmem:s19+$0x10];
	_ =	sdelay $0x4  }
0x18b: {  	v0 =	vadd.f32 v1, v0;
	_ =	sdelay $0x1  }
0x18c: {  	[tilespmem:s21+$0x10] =	vst v0  }
0x18d: {  	v0 =	vld [tilespmem:s25+$0x20]  }
0x18e: {  	v1 =	vld [tilespmem:s19+$0x20];
	_ =	sdelay $0x4  }
0x18f: {  	v0 =	vadd.f32 v1, v0;
	_ =	sdelay $0x1  }
0x190: {  	[tilespmem:s21+$0x20] =	vst v0  }
0x191: {  	s24 =	simm.s32 $0x0;
	s29 =	simm.s32 $0x96C0;
	v0 =	vld [tilespmem:s25+$0x30];
	s25 =	simm.s32 $0xFA40  }
.LBB2_15:
0x192: {  	s24 =	sadd.s32 $0x2, s24;
	v1 =	vld [tilespmem:s19+$0x30];
	s21 =	sadd.s32 $0x80, s21;
	s19 =	sadd.s32 $0x80, s19  }
0x193: {  	p0 =	slt.u32 s24, $0xC6;
	_ =	sdelay $0x3  }
0x194: {  	v0 =	vadd.f32 v1, v0;
	_ =	sdelay $0x1  }
0x195: {  	[tilespmem:s25+$0x30] =	vst v0;
	s25 =	smov.u32 s21  }
0x196: {  	v0 =	vld [tilespmem:s29+$0xFFFFFFC0]  }
0x197: {  	v1 =	vld [tilespmem:s19+$0xFFFFFFC0];
	_ =	sdelay $0x4  }
0x198: {  	v0 =	vadd.f32 v1, v0;
	_ =	sdelay $0x1  }
0x199: {  	[tilespmem:s21+$0xFFFFFFC0] =	vst v0  }
0x19a: {  	v0 =	vld [tilespmem:s19+$0xFFFFFFD0]  }
0x19b: {  	v1 =	vld [tilespmem:s29+$0xFFFFFFD0];
	_ =	sdelay $0x4  }
0x19c: {  	v0 =	vadd.f32 v0, v1;
	_ =	sdelay $0x1  }
0x19d: {  	[tilespmem:s21+$0xFFFFFFD0] =	vst v0  }
0x19e: {  	v0 =	vld [tilespmem:s29+$0xFFFFFFE0]  }
0x19f: {  	v1 =	vld [tilespmem:s19+$0xFFFFFFE0];
	_ =	sdelay $0x4  }
0x1a0: {  	v0 =	vadd.f32 v1, v0;
	_ =	sdelay $0x1  }
0x1a1: {  	[tilespmem:s21+$0xFFFFFFE0] =	vst v0  }
0x1a2: {  	v0 =	vld [tilespmem:s29+$0xFFFFFFF0]  }
0x1a3: {  	v1 =	vld [tilespmem:s19+$0xFFFFFFF0];
	_ =	sdelay $0x4  }
0x1a4: {  	v0 =	vadd.f32 v1, v0;
	_ =	sdelay $0x1  }
0x1a5: {  	[tilespmem:s21+$0xFFFFFFF0] =	vst v0  }
0x1a6: {  	v0 =	vld [tilespmem:s29+$0x0]  }
0x1a7: {  	v1 =	vld [tilespmem:s19+$0x0];
	_ =	sdelay $0x4  }
0x1a8: {  	v0 =	vadd.f32 v1, v0;
	_ =	sdelay $0x1  }
0x1a9: {  	[tilespmem:s21+$0x0] =	vst v0  }
0x1aa: {  	v0 =	vld [tilespmem:s29+$0x10]  }
0x1ab: {  	v1 =	vld [tilespmem:s19+$0x10];
	_ =	sdelay $0x4  }
0x1ac: {  	v0 =	vadd.f32 v1, v0;
	_ =	sdelay $0x1  }
0x1ad: {  	[tilespmem:s21+$0x10] =	vst v0  }
0x1ae: {  	v0 =	vld [tilespmem:s29+$0x20]  }
0x1af: {  	v1 =	vld [tilespmem:s19+$0x20];
	_ =	sdelay $0x3  }
.Ltmp9:
0x1b0: {  	(pc) =	sbr.rel @p0 .LBB2_15-.Ltmp9, $3  }
0x1b1: {  	v0 =	vadd.f32 v1, v0;
	_ =	sdelay $0x1  }
0x1b2: {  	[tilespmem:s21+$0x20] =	vst v0  }
0x1b3: {  	v0 =	vld [tilespmem:s29+$0x30];
	s29 =	sadd.s32 $0x80, s29  }
0x1b4: {  	v1 =	vld [tilespmem:s19+$0x30];
	_ =	sdelay $0x4  }
0x1b5: {  	v0 =	vadd.f32 v1, v0;
	_ =	sdelay $0x1  }
0x1b6: {  	[tilespmem:s25+$0x30] =	vst v0  }
0x1b7: {  	[hbm4b:s10+s3] =	stream.linear.scatter [tilespmem:s26], [sflag:$0x3], $0x3200, $0x38;
	[tilespmem:$0x15E00] =	vst v63  }
0x1b8: {  	_ =	swait.ge [sflag:s1], $0x3200  }
0x1b9: {  	[sflag:s1] =	ssyncset.done $0x0  }
0x1ba: {  	[sflag:s1] =	ssyncadd.s32 $0xFFFFCE00  }
0x1bb: {  	_ =	swait.ge [sflag:s28], $0x2000  }
0x1bc: {  	[sflag:s28] =	ssyncset.done $0x0  }
0x1bd: {  	[sflag:s28] =	ssyncadd.s32 $0xFFFFE000  }
0x1be: {  	_ =	swait.ge [sflag:s28], $0x1200  }
0x1bf: {  	[sflag:s28] =	ssyncset.done $0x0  }
0x1c0: {  	s30 =	simm.s32 $0xC840;
	[sflag:s28] =	ssyncadd.s32 $0xFFFFEE00  }
0x1c1: {  	s19 =	simm.s32 $0x6440;
	v0 =	vld [tilespmem:s30+$0xFFFFFFC0]  }
0x1c2: {  	v1 =	vld [tilespmem:s19+$0xFFFFFFC0];
	_ =	sdelay $0x4  }
0x1c3: {  	v0 =	vadd.f32 v1, v0  }
0x1c4: {  	s21 =	simm.s32 $0x12C40  }
0x1c5: {  	[tilespmem:s21+$0xFFFFFFC0] =	vst v0  }
0x1c6: {  	v0 =	vld [tilespmem:s19+$0xFFFFFFD0]  }
0x1c7: {  	v1 =	vld [tilespmem:s30+$0xFFFFFFD0];
	_ =	sdelay $0x4  }
0x1c8: {  	v0 =	vadd.f32 v0, v1;
	_ =	sdelay $0x1  }
0x1c9: {  	[tilespmem:s21+$0xFFFFFFD0] =	vst v0  }
0x1ca: {  	v0 =	vld [tilespmem:s30+$0xFFFFFFE0]  }
0x1cb: {  	v1 =	vld [tilespmem:s19+$0xFFFFFFE0];
	_ =	sdelay $0x4  }
0x1cc: {  	v0 =	vadd.f32 v1, v0;
	_ =	sdelay $0x1  }
0x1cd: {  	[tilespmem:s21+$0xFFFFFFE0] =	vst v0  }
0x1ce: {  	v0 =	vld [tilespmem:s30+$0xFFFFFFF0]  }
0x1cf: {  	v1 =	vld [tilespmem:s19+$0xFFFFFFF0];
	_ =	sdelay $0x4  }
0x1d0: {  	v0 =	vadd.f32 v1, v0;
	_ =	sdelay $0x1  }
0x1d1: {  	[tilespmem:s21+$0xFFFFFFF0] =	vst v0  }
0x1d2: {  	v0 =	vld [tilespmem:s30+$0x0]  }
0x1d3: {  	v1 =	vld [tilespmem:s19+$0x0];
	_ =	sdelay $0x4  }
0x1d4: {  	v0 =	vadd.f32 v1, v0;
	_ =	sdelay $0x1  }
0x1d5: {  	[tilespmem:s21+$0x0] =	vst v0  }
0x1d6: {  	v0 =	vld [tilespmem:s30+$0x10]  }
0x1d7: {  	v1 =	vld [tilespmem:s19+$0x10];
	_ =	sdelay $0x4  }
0x1d8: {  	v0 =	vadd.f32 v1, v0;
	_ =	sdelay $0x1  }
0x1d9: {  	[tilespmem:s21+$0x10] =	vst v0  }
0x1da: {  	v0 =	vld [tilespmem:s30+$0x20]  }
0x1db: {  	v1 =	vld [tilespmem:s19+$0x20];
	_ =	sdelay $0x4  }
0x1dc: {  	v0 =	vadd.f32 v1, v0;
	_ =	sdelay $0x1  }
0x1dd: {  	[tilespmem:s21+$0x20] =	vst v0  }
0x1de: {  	s24 =	simm.s32 $0x0;
	s29 =	simm.s32 $0xC8C0;
	s25 =	simm.s32 $0x12C40;
	v0 =	vld [tilespmem:s30+$0x30]  }
.LBB2_17:
0x1df: {  	s24 =	sadd.s32 $0x2, s24;
	v1 =	vld [tilespmem:s19+$0x30];
	s21 =	sadd.s32 $0x80, s21;
	s19 =	sadd.s32 $0x80, s19  }
0x1e0: {  	p0 =	slt.u32 s24, $0xC6;
	_ =	sdelay $0x3  }
0x1e1: {  	v0 =	vadd.f32 v1, v0;
	_ =	sdelay $0x1  }
0x1e2: {  	[tilespmem:s25+$0x30] =	vst v0;
	s25 =	smov.u32 s21  }
0x1e3: {  	v0 =	vld [tilespmem:s29+$0xFFFFFFC0]  }
0x1e4: {  	v1 =	vld [tilespmem:s19+$0xFFFFFFC0];
	_ =	sdelay $0x4  }
0x1e5: {  	v0 =	vadd.f32 v1, v0;
	_ =	sdelay $0x1  }
0x1e6: {  	[tilespmem:s21+$0xFFFFFFC0] =	vst v0  }
0x1e7: {  	v0 =	vld [tilespmem:s19+$0xFFFFFFD0]  }
0x1e8: {  	v1 =	vld [tilespmem:s29+$0xFFFFFFD0];
	_ =	sdelay $0x4  }
0x1e9: {  	v0 =	vadd.f32 v0, v1;
	_ =	sdelay $0x1  }
0x1ea: {  	[tilespmem:s21+$0xFFFFFFD0] =	vst v0  }
0x1eb: {  	v0 =	vld [tilespmem:s29+$0xFFFFFFE0]  }
0x1ec: {  	v1 =	vld [tilespmem:s19+$0xFFFFFFE0];
	_ =	sdelay $0x4  }
0x1ed: {  	v0 =	vadd.f32 v1, v0;
	_ =	sdelay $0x1  }
0x1ee: {  	[tilespmem:s21+$0xFFFFFFE0] =	vst v0  }
0x1ef: {  	v0 =	vld [tilespmem:s29+$0xFFFFFFF0]  }
0x1f0: {  	v1 =	vld [tilespmem:s19+$0xFFFFFFF0];
	_ =	sdelay $0x4  }
0x1f1: {  	v0 =	vadd.f32 v1, v0;
	_ =	sdelay $0x1  }
0x1f2: {  	[tilespmem:s21+$0xFFFFFFF0] =	vst v0  }
0x1f3: {  	v0 =	vld [tilespmem:s29+$0x0]  }
0x1f4: {  	v1 =	vld [tilespmem:s19+$0x0];
	_ =	sdelay $0x4  }
0x1f5: {  	v0 =	vadd.f32 v1, v0;
	_ =	sdelay $0x1  }
0x1f6: {  	[tilespmem:s21+$0x0] =	vst v0  }
0x1f7: {  	v0 =	vld [tilespmem:s29+$0x10]  }
0x1f8: {  	v1 =	vld [tilespmem:s19+$0x10];
	_ =	sdelay $0x4  }
0x1f9: {  	v0 =	vadd.f32 v1, v0;
	_ =	sdelay $0x1  }
0x1fa: {  	[tilespmem:s21+$0x10] =	vst v0  }
0x1fb: {  	v0 =	vld [tilespmem:s29+$0x20]  }
0x1fc: {  	v1 =	vld [tilespmem:s19+$0x20];
	_ =	sdelay $0x3  }
.Ltmp10:
0x1fd: {  	(pc) =	sbr.rel @p0 .LBB2_17-.Ltmp10, $3  }
0x1fe: {  	v0 =	vadd.f32 v1, v0;
	_ =	sdelay $0x1  }
0x1ff: {  	[tilespmem:s21+$0x20] =	vst v0  }
0x200: {  	v0 =	vld [tilespmem:s29+$0x30];
	s29 =	sadd.s32 $0x80, s29  }
0x201: {  	v1 =	vld [tilespmem:s19+$0x30];
	_ =	sdelay $0x4  }
0x202: {  	v0 =	vadd.f32 v1, v0;
	_ =	sdelay $0x1  }
0x203: {  	s14 =	sadd.s32 $0x1, s14;
	[tilespmem:s25+$0x30] =	vst v0  }
0x204: {  	[hbm4b:s11+s3] =	stream.linear.scatter [tilespmem:s31], [sflag:$0x4], $0x3200, $0x38;
	[tilespmem:$0x15E00] =	vst v63  }
0x205: {  	p0 =	sne.s32 s14, s12;
	_ =	swait.ge [sflag:s0], $0x3200  }
.Ltmp11:
0x206: {  	[sflag:s0] =	ssyncset.done $0x0;
	(pc) =	sbr.rel @p0 .LBB2_1-.Ltmp11, $4  }
0x207: {  	[sflag:s0] =	ssyncadd.s32 $0xFFFFCE00  }
0x208: {  	_ =	swait.ge [sflag:s1], $0x3200  }
0x209: {  	[sflag:s1] =	ssyncset.done $0x0  }
0x20a: {  	[sflag:s1] =	ssyncadd.s32 $0xFFFFCE00  }
0x20b: {  	_ =	sfence.sel $0x180000  }
0x20c: {  	[bflag:$0x0] =	sbarrier.arrive $0xFFFF  }
0x20d: {  	_ =	strace $0x90000047  }
0x20e: {  	s0 =	stileid.u32;
	[bflag:$0x2] =	sbarrier.arrive $0xFFFF  }
0x20f: {  	p0 =	sne.s32 s0, $0x0;
	s0 =	rddreg [dreg:$0x3]  }
0x210: {  	s0 =	sadd.s32 @!p0 $0x100000, s0  }
0x211: {  	[sflag:s0] =	ssyncadd.tile.s32 @!p0 $0x1;
	_ =	shalt  }
.Lfunc_end2:
_tile_overlayer_lowered:
.L_overlay_start_2:
0x212: {  	(tag) =	ssettag $0x2  }
0x213: {  	s0 =	rddreg [dreg:$0x0];
	s2 =	stileid.u32  }
0x214: {  	s1 =	rddreg [dreg:$0x1];
	p0 =	sne.s32 s2, $0x0  }
0x215: {  	s3 =	rddreg [dreg:$0x2];
	[bflag:$0x3] =	sbarrier.arrive $0xFFFF;
	s2 =	simm.s32 @!p0 $0x1C05  }
0x216: {  	[timem:s3], [sflag:s2] =	dma.local @!p0 [hbm:s0], s1  }
0x217: {  	s0 =	simm.s32 @!p0 $0x5  }
0x218: {  	_ =	swait.ge @!p0 [sflag:s0], s1  }
0x219: {  	s1 =	ssub.s32 @!p0 $0x0, s1;
	[sflag:s0] =	ssyncset.done @!p0 $0x0  }
0x21a: {  	[sflag:s0] =	ssyncadd.s32 @!p0 s1  }
0x21b: {  	[bflag:$0x3] =	sbarrier.arrive $0xFFFF  }
0x21c: {  	_ =	shalt  }

// kernel: sparse-core-data-format-call.cloned.1.call-start
scs
called_computation_lowered:
.L_overlay_start_0:
0x0: {  	s2 =	sld [smem:$0x3FD9]  }
0x1: {  	s3 =	sld [smem:$0x3FFE];
	_ =	sdelay $0x1  }
0x2: {  	s1 =	srdreg.scid  }
0x3: {  	s0 =	sand.u32 $0x1, s1  }
0x4: {  	s18 =	sshll.u32 s0, $0xA;
	s2 =	sadd.s32 s3, s2  }
0x5: {  	s2 =	sadd.s32 s2, s18  }
0x6: {  	[smem:$0x3FC5] =	sst s2  }
0x7: {  	_ = 	snop  }
0x8: {  	s2 =	sld [smem:$0x3FD0];
	(tm) =	ssettm $0x1  }
0x9: {  	s19 =	sld [smem:$0x3FFB];
	_ =	sdelay $0x3  }
0xa: {  	_ =	strace s19  }
0xb: {  	s3 =	sld [smem:$0x3FFC];
	_ =	sdelay $0x3  }
0xc: {  	_ =	strace s3  }
0xd: {  	s3 =	sld [smem:$0x3FFD];
	_ =	sdelay $0x3  }
0xe: {  	_ =	strace s3  }
0xf: {  	_ =	strace $0x8FFFFFFF  }
0x10: {  	s20 =	sld [smem:$0x3FDB];
	_ =	sdelay $0x1  }
0x11: {  	s4 =	simm.s32 $_scs_section_size  }
0x12: {  	s5 =	simm.s32 $_size__tile_overlayer_lowered;
	s6 =	simm.s32 $_tile_overlayer_lowered  }
0x13: {  	s23 =	simm.s32 $0x1BFF;
	s22 =	sshll.u32 s6, $0x1;
	s3 =	sadd.s32 s4, s20  }
0x14: {  	s7 =	simm.s32 $0x0;
	s21 =	sshll.u32 s5, $0x1;
	s5 =	sadd.s32 s22, s3  }
0x15: {  	[timem:s7], [sflag:s23] =	dma.local [hbm:s5], s21  }
0x16: {  	_ =	swait.ge [sflag:s23], s21  }
0x17: {  	s4 =	ssub.s32 $0x0, s21;
	[sflag:s23] =	ssyncset.done $0x0  }
0x18: {  	[sflag:s23] =	ssyncadd.s32 s4;
	_ =	sdelay $0x1  }
0x19: {  	s24 =	simm.s32 $0x1B8B  }
0x1a: {  	_ =	swait.ge [sflag:s24], $0x1  }
0x1b: {  	[sflag:s24] =	ssyncset.done $0x0  }
0x1c: {  	s26 =	simm.s32 $0x1B8E;
	s25 =	sld [smem:$0x3FFE];
	[sflag:s24] =	ssyncadd.s32 $0xFFFFFFFF  }
0x1d: {  	s27 =	simm.s32 $execute0_lowered;
	[smem:$0x3FD2] =	sst s26  }
0x1e: {  	s5 =	sshll.u32 s27, $0x1;
	_ =	strace $0x80000049;
	[dreg:$0x1] =	wrdreg $0xFFFFFFFF  }
0x1f: {  	s28 =	simm.s32 $_size_execute0_lowered;
	s3 =	sadd.s32 s3, s5;
	[dreg:$0x0] =	wrdreg $0x0  }
0x20: {  	s5 =	sshll.u32 s28, $0x1;
	[dreg:$0x2] =	wrdreg s3  }
0x21: {  	[dreg:$0x3] =	wrdreg s5  }
0x22: {  	[dreg:$0x4] =	wrdreg $0xC0  }
0x23: {  	_ =	task [dreg:s7], $0x5FFFF  }
0x24: {  	[dreg:$0x1] =	wrdreg $0xFFFFFFFF  }
0x25: {  	[dreg:$0x0] =	wrdreg $0x60  }
0x26: {  	[dreg:$0x2] =	wrdreg s25  }
0x27: {  	[dreg:$0x3] =	wrdreg s2  }
0x28: {  	[dreg:$0x4] =	wrdreg $0x9  }
0x29: {  	_ =	task.clear_ibuf [dreg:s7], $0x5FFFF;
	_ =	strace $0x90000049  }
0x2a: {  	s29 =	simm.s32 $0x9;
	_ =	strace $0x8000004B  }
0x2b: {  	_ =	swait.ge [sflag:s29], $0x1  }
0x2c: {  	[sflag:s29] =	ssyncadd.s32 $0xFFFFFFFF  }
0x2d: {  	_ =	strace $0x9000004B  }
0x2e: {  	_ =	sfence  }
0x2f: {  	s30 =	sld [smem:$0x0];
	_ =	sdelay $0x2  }
0x30: {  	s31 =	sshll.u32 s1, $0xD;
	s1 =	sshrl.u32 s1, $0x2  }
0x31: {  	s3 =	sand.u32 $0x4000, s31;
	s1 =	sadd.s32 s1, s30  }
0x32: {  	s0 =	sor.u32 s3, s0;
	s1 =	sshll.u32 s1, $0x11  }
0x33: {  	s0 =	sor.u32 s1, s0  }
0x34: {  	s0 =	sadd.s32 $0x8F2B, s0  }
0x35: {  	[sflag:s0] =	ssyncadd.remote.s32 $0x1  }
0x36: {  	_ =	sfence.sel $0xFFFF  }
0x37: {  	[dreg:$0x0] =	wrdreg $0xFFFFFFFF;
	(pc) =	sbr.abs _section_cstart, $3  }
0x38: {  	[dreg:$0x1] =	wrdreg $0xFFFFFFFF  }
0x39: {  	_ =	task.clear_ibuf [dreg:s7], $0x2FFFF;
	_ =	strace $0x9FFFFFFF  }
0x3a: {  	(tm) =	ssettm $0x7FFFFFFF  }
0x3b: {  	_ =	shalt  }
tec
execute0_lowered:
.L_overlay_start_1:
0x0: {  	(tag) =	ssettag $0x1  }
0x1: {  	s0 =	srdreg.scid  }
0x2: {  	s1 =	sshll.u32 s0, $0x4  }
0x3: {  	s4 =	rddreg [dreg:$0x0];
	s0 =	stileid.u32;
	s1 =	sand.u32 $0x10, s1  }
0x4: {  	s2 =	rddreg [dreg:$0x1];
	s7 =	simm.s32 $0x1;
	s1 =	sor.u32 s0, s1  }
0x5: {  	s8 =	simm.s32 $0x2;
	s11 =	simm.s32 $0x0;
	s3 =	sshll.u32 s1, $0x7  }
0x6: {  	s10 =	simm.s32 $0x0;
	s4 =	sadd.s32 $0xA00, s4;
	s6 =	ssub.s32 $0xC8000, s3  }
.Ltmp0:
0x7: {  	s1 =	rddreg [dreg:$0x2];
	s5 =	sand.u32 $0xF80, s6;
	(pc) =	sbr.rel .LBB1_1-.Ltmp0, $4  }
0x8: {  	_ =	strace $0x8000004A;
	s9 =	smov.u32 s3;
	p0 =	sne.s32 s5, $0x0  }
0x9: {  	s6 =	sshrl.u32 s6, $0xC;
	s5 =	simm.s32 $0x1;
	s7 =	simm.s32 @!p0 $0x0  }
0xa: {  	[sflag:s5] =	ssyncpa.u1 $0x0;
	p0 =	por $0x0, $0x0;
	s6 =	sadd.s32 s7, s6  }
0xb: {  	[sflag:s8] =	ssyncpa.u1 $0x0;
	s8 =	simm.s32 $0x640000;
	s7 =	sadd.s32 $0x1, s6  }
.LBB1_4:
0xc: {  	s14 =	sshll.u32 s11, $0x3  }
0xd: {  	s30 =	sand.u32 $0x7F, s11;
	s15 =	sand.u32 $0xFFFFFC00, s14  }
0xe: {  	s11 =	sor.u32 s30, s15  }
0xf: {  	s15 =	smulhi.u32 $0x51EB851F, s11  }
0x10: {  	s14 =	smulhi.u32 $0x51EB851F, s14  }
0x11: {  	s15 =	sshrl.u32 s15, $0x12  }
0x12: {  	s14 =	sshrl.u32 s14, $0x12;
	s15 =	smul.u32 $0xC8000, s15  }
0x13: {  	s14 =	sand.u32 $0x3F, s14  }
0x14: {  	s14 =	smul.u32 $0x19000, s14;
	s11 =	ssub.s32 s11, s15  }
0x15: {  	[tilespmem:s13+$0x810 ss:$0x81] =	vst.msk $0xffff, v2;
	s15 =	sand.u32 $0x7, s11  }
0x16: {  	[tilespmem:s13+$0x1020 ss:$0x81] =	vst.msk $0xffff, v0;
	s14 =	sadd.s32 s2, s14;
	s11 =	sshrl.u32 s11, $0x3;
	s15 =	sshll.u32 s15, $0x12  }
0x17: {  	[tilespmem:s13+$0x0 ss:$0x81] =	vst.msk $0xffff, v1;
	s11 =	sadd.s32 s11, s14;
	s31 =	sor.u32 $0x400, s15  }
0x18: {  	[hbm4b:s11+s31] =	stream.strided.scatter [tilespmem:s12], [sflag:$0x2], $0x2000, s8, s31, $0x20;
	[tilespmem:$0x8080] =	vst v63  }
.LBB1_5:
0x19: {  	s13 =	sadd.s32 $0x1000, s9  }
0x1a: {  	p2 =	sgt.s32 s13, $0xC7FFF  }
0x1b: {  	s13 =	smov.u32 @p2 s3;
	p2 =	sne.s32 s10, s7  }
.Ltmp1:
0x1c: {  	p1 =	slt.u32 s10, $0x2;
	(pc) =	sbr.rel @!p2 .LBB1_6-.Ltmp1, $4  }
0x1d: {  	s12 =	simm.s32 @!p1 $0x2  }
0x1e: {  	s14 =	sadd.s32 $0x1, s10;
	_ =	swait.ge @!p1 [sflag:s12], $0x2000  }
0x1f: {  	s11 =	smov.u32 s9;
	p0 =	por !p0, !p0;
	[sflag:s12] =	ssyncset.done @!p1 $0x0  }
0x20: {  	s10 =	smov.u32 s14;
	s9 =	smov.u32 s13;
	[sflag:s12] =	ssyncadd.s32 @!p1 $0xFFFFE000  }
.LBB1_1:
0x21: {  	p1 =	sge.u32 s10, s6  }
0x22: {  	s12 =	sand.u32 @!p1 $0x1FFFFFF, s9  }
0x23: {  	s13 =	smulhi.u32 @!p1 $0x147AE15, s12;
	_ =	sdelay $0x1  }
0x24: {  	s13 =	sshrl.u32 @!p1 s13, $0xC  }
0x25: {  	s13 =	smul.u32 @!p1 $0xC8000, s13;
	_ =	sdelay $0x1  }
0x26: {  	s31 =	sadd.s32 $0xFFFFFFFF, s10;
	s14 =	sxor.u32 @!p1 $0xFFFFFFFF, s10;
	s12 =	ssub.s32 @!p1 s12, s13  }
0x27: {  	s15 =	simm.s32 @!p1 $0x80;
	s14 =	sshll.u32 @!p1 s14, $0xD;
	s12 =	sshll.u32 @!p1 s12, $0x4  }
0x28: {  	s13 =	sand.u32 @!p1 $0x2000, s14;
	s14 =	simm.s32 @!p1 $0x40;
	s12 =	sadd.s32 @!p1 s4, s12  }
0x29: {  	[tilespmem:s13], [sflag:$0x1] =	stream.strided.gather @!p1 [hbm4b:s12+s14], $0x2000, s15, s14, $0x38;
	[tilespmem:$0x8080] =	vst v63  }
0x2a: {  	p1 =	sge.u32 s31, s6  }
.Ltmp2:
0x2b: {  	_ = 	snop;
	(pc) =	sbr.rel @p1 .LBB1_5-.Ltmp2, $1  }
0x2c: {  	_ =	sdelay $0x3  }
0x2d: {  	s12 =	simm.s32 $0x1  }
0x2e: {  	_ =	swait.ge [sflag:s5], $0x2000;
	s12 =	simm.s32 @!p0 $0x0  }
0x2f: {  	[sflag:s5] =	ssyncset.done $0x0;
	s13 =	sshll.u32 s12, $0xD  }
0x30: {  	[sflag:s5] =	ssyncadd.s32 $0xFFFFE000;
	s16 =	sor.u32 $0x20, s13  }
0x31: {  	s12 =	smul.u32 $0x8100, s12;
	v3 =	vld [tilespmem:s16+$0x10]  }
0x32: {  	s30 =	sand.u32 $0x1, s10;
	v2 =	vld [tilespmem:s16+$0xFFFFFFF0]  }
0x33: {  	s13 =	smul.u32 $0x8100, s30;
	s12 =	sshrl.u32 s12, $0x2;
	v0 =	vld [tilespmem:s16+$0x0]  }
0x34: {  	v1 =	vld [tilespmem:s16+$0xFFFFFFE0];
	s14 =	sor.u32 $0x4000, s12  }
0x35: {  	s31 =	sshrl.u32 s13, $0x2;
	s13 =	sadd.s32 $0x0, s14  }
0x36: {  	s15 =	simm.s32 $0x4;
	s16 =	sadd.s32 $0x40, s16;
	s12 =	sor.u32 $0x4000, s31;
	[tilespmem:s13+$0x1830 ss:$0x81] =	vst.msk $0xffff, v3  }
.LBB1_3:
0x37: {  	v3 =	vld [tilespmem:s16+$0x10];
	p1 =	sne.s32 s15, $0x1FC;
	[tilespmem:s13+$0x810 ss:$0x81] =	vst.msk $0xffff, v2;
	s17 =	smov.u32 s15;
	s15 =	sadd.s32 $0x4, s15  }
.Ltmp3:
0x38: {  	v2 =	vld [tilespmem:s16+$0xFFFFFFF0];
	[tilespmem:s13+$0x1020 ss:$0x81] =	vst.msk $0xffff, v0;
	(pc) =	sbr.rel @p1 .LBB1_3-.Ltmp3, $4  }
0x39: {  	v0 =	vld [tilespmem:s16+$0x0];
	[tilespmem:s13+$0x0 ss:$0x81] =	vst.msk $0xffff, v1  }
0x3a: {  	s13 =	sshra.s32 s17, $0x2;
	v1 =	vld [tilespmem:s16+$0xFFFFFFE0]  }
0x3b: {  	s13 =	sadd.s32 s13, s14  }
0x3c: {  	s16 =	sadd.s32 $0x40, s16;
	[tilespmem:s13+$0x1830 ss:$0x81] =	vst.msk $0xffff, v3  }
.Ltmp4:
0x3d: {  	_ = 	snop;
	(pc) =	sbr.rel .LBB1_4-.Ltmp4, $1  }
0x3e: {  	_ =	sdelay $0x3  }
.LBB1_6:
0x3f: {  	_ =	sfence.sel $0x180000  }
0x40: {  	s2 =	simm.s32 $0x1;
	[bflag:$0x0] =	sbarrier.arrive $0xFFFF  }
0x41: {  	s31 =	simm.s32 $0x2;
	[sflag:s2] =	ssyncpa.u1 $0x1  }
0x42: {  	[sflag:s31] =	ssyncpa.u1 $0x1  }
0x43: {  	p0 =	sne.s32 s0, $0x0;
	_ =	strace $0x9000004A  }
0x44: {  	s0 =	sadd.s32 @!p0 $0x100000, s1;
	[bflag:$0x2] =	sbarrier.arrive $0xFFFF  }
0x45: {  	[sflag:s0] =	ssyncadd.tile.s32 @!p0 $0x1;
	_ =	shalt  }
.Lfunc_end1:
_tile_overlayer_lowered:
.L_overlay_start_2:
0x46: {  	(tag) =	ssettag $0x2  }
0x47: {  	s0 =	rddreg [dreg:$0x0];
	s2 =	stileid.u32  }
0x48: {  	s1 =	rddreg [dreg:$0x1];
	p0 =	sne.s32 s2, $0x0  }
0x49: {  	s3 =	rddreg [dreg:$0x2];
	[bflag:$0x3] =	sbarrier.arrive $0xFFFF;
	s2 =	simm.s32 @!p0 $0x1C01  }
0x4a: {  	[timem:s3], [sflag:s2] =	dma.local @!p0 [hbm:s0], s1  }
0x4b: {  	s0 =	simm.s32 @!p0 $0x1  }
0x4c: {  	_ =	swait.ge @!p0 [sflag:s0], s1  }
0x4d: {  	s1 =	ssub.s32 @!p0 $0x0, s1;
	[sflag:s0] =	ssyncset.done @!p0 $0x0  }
0x4e: {  	[sflag:s0] =	ssyncadd.s32 @!p0 s1  }
0x4f: {  	[bflag:$0x3] =	sbarrier.arrive $0xFFFF  }
0x50: {  	_ =	shalt  }

</sc_bundles>
